<compile_context>
chip_gen: v7x
topology: tpu7x:2x2x1
jax: 0.10.2.dev20260603
libtpu: 0.0.44.dev20260713+nightly
codegen_flags: <defaults>
</compile_context>

<pallas_src>
import functools

import jax
import jax.numpy as jnp
from jax import lax
from jax.experimental import pallas as pl
from jax.experimental.pallas import tpu as pltpu
from jax.experimental.pallas import tpu_sc as plsc

DIM = 1024
HIDDEN = 2048
E = 8
EPAD = 128
TB = 256
CAPACITY_FACTOR = 1.25


def _routing_body(cap, x_ref, gw_ref, gb_ref, slot_ref, gwt_ref, carry_ref):
    i = pl.program_id(0)

    @pl.when(i == 0)
    def _():
        carry_ref[...] = jnp.zeros_like(carry_ref)

    x = x_ref[...]
    logits = jnp.dot(x, gw_ref[...], preferred_element_type=jnp.float32)
    logits = logits + gb_ref[...]
    lane = lax.broadcasted_iota(jnp.int32, (TB, EPAD), 1)
    logits = jnp.where(lane < E, logits, -1e30)
    m = jnp.max(logits, axis=1, keepdims=True)
    eid = jnp.min(jnp.where(logits >= m, lane, EPAD), axis=1, keepdims=True)
    denom = jnp.sum(jnp.where(lane < E, jnp.exp(logits - m), 0.0),
                    axis=1, keepdims=True)
    gw_tok = 1.0 / denom

    onehot = (lane == eid).astype(jnp.float32)
    row = lax.broadcasted_iota(jnp.int32, (TB, TB), 0)
    col = lax.broadcasted_iota(jnp.int32, (TB, TB), 1)
    ltri = (col <= row).astype(jnp.float32)
    within = jnp.dot(ltri, onehot, preferred_element_type=jnp.float32)
    carry = carry_ref[...]
    pos = jnp.sum((within + carry) * onehot, axis=1, keepdims=True)
    carry_ref[...] = carry + jnp.sum(onehot, axis=0, keepdims=True)

    valid = pos <= cap
    slot = jnp.where(valid, eid * cap + pos.astype(jnp.int32) - 1, E * cap)
    slot_ref[...] = slot
    gwt_ref[...] = jnp.where(valid, gw_tok, 0.0)


def _routing(xf, gwp, gbp, cap):
    t = xf.shape[0]
    nb = t // TB
    return pl.pallas_call(
        functools.partial(_routing_body, cap),
        grid=(nb,),
        in_specs=[
            pl.BlockSpec((TB, DIM), lambda i: (i, 0)),
            pl.BlockSpec((DIM, EPAD), lambda i: (0, 0)),
            pl.BlockSpec((1, EPAD), lambda i: (0, 0)),
        ],
        out_specs=[
            pl.BlockSpec((TB, 1), lambda i: (i, 0)),
            pl.BlockSpec((TB, 1), lambda i: (i, 0)),
        ],
        out_shape=[
            jax.ShapeDtypeStruct((t, 1), jnp.int32),
            jax.ShapeDtypeStruct((t, 1), jnp.float32),
        ],
        scratch_shapes=[pltpu.VMEM((1, EPAD), jnp.float32)],
    )(xf, gwp, gbp)


_NH = 4
_HB = HIDDEN // _NH


def _ffn_body(x_ref, w2_ref, w3_ref, w1_ref, o_ref):
    hb = pl.program_id(1)
    x = x_ref[...]
    a = jnp.dot(x, w2_ref[0], preferred_element_type=jnp.float32)
    b = jnp.dot(x, w3_ref[0], preferred_element_type=jnp.float32)
    h = (a * lax.logistic(a)) * b
    p = jnp.dot(h, w1_ref[0], preferred_element_type=jnp.float32)

    @pl.when(hb == 0)
    def _():
        o_ref[...] = p

    @pl.when(hb != 0)
    def _():
        o_ref[...] += p


def _ffn(disp, w2, w3, w1, cap):
    rows = disp.shape[0]
    return pl.pallas_call(
        _ffn_body,
        grid=(E, _NH),
        in_specs=[
            pl.BlockSpec((cap, DIM), lambda e, h: (e, 0)),
            pl.BlockSpec((1, DIM, _HB), lambda e, h: (e, 0, h)),
            pl.BlockSpec((1, DIM, _HB), lambda e, h: (e, 0, h)),
            pl.BlockSpec((1, _HB, DIM), lambda e, h: (e, h, 0)),
        ],
        out_specs=pl.BlockSpec((cap, DIM), lambda e, h: (e, 0)),
        out_shape=jax.ShapeDtypeStruct((rows, DIM), jnp.float32),
    )(disp, w2, w3, w1)


_SC_CORES = 2
_SC_SUBCORES = 16
_NW = _SC_CORES * _SC_SUBCORES
_CHUNK = 32


def _sc_mesh():
    return plsc.VectorSubcoreMesh(core_axis_name="c", subcore_axis_name="s")


def _dispatch(xf, slot, disp_rows):
    t, d = xf.shape
    per_w = t // _NW

    @functools.partial(
        pl.kernel,
        mesh=_sc_mesh(),
        out_type=jax.ShapeDtypeStruct((disp_rows, d), jnp.float32),
        scratch_types=[
            pltpu.VMEM((_CHUNK,), jnp.int32),
            pltpu.VMEM((_CHUNK, d), jnp.float32),
        ],
    )
    def dispatch_kernel(x_hbm, slot_hbm, disp_hbm, idx_v, row_v):
        wid = lax.axis_index("s") * _SC_CORES + lax.axis_index("c")
        base = wid * per_w
        for c in range(per_w // _CHUNK):
            b = base + c * _CHUNK
            pltpu.sync_copy(slot_hbm.at[pl.ds(b, _CHUNK)], idx_v)
            pltpu.sync_copy(x_hbm.at[pl.ds(b, _CHUNK)], row_v)
            pltpu.sync_copy(row_v, disp_hbm.at[idx_v])

    return dispatch_kernel(xf, slot)


def _combine(eout, slot, t):
    d = eout.shape[1]
    per_w = t // _NW

    @functools.partial(
        pl.kernel,
        mesh=_sc_mesh(),
        out_type=jax.ShapeDtypeStruct((t, d), jnp.float32),
        scratch_types=[
            pltpu.VMEM((_CHUNK,), jnp.int32),
            pltpu.VMEM((_CHUNK, d), jnp.float32),
        ],
    )
    def combine_kernel(eout_hbm, slot_hbm, comb_hbm, idx_v, row_v):
        wid = lax.axis_index("s") * _SC_CORES + lax.axis_index("c")
        base = wid * per_w
        for c in range(per_w // _CHUNK):
            b = base + c * _CHUNK
            pltpu.sync_copy(slot_hbm.at[pl.ds(b, _CHUNK)], idx_v)
            pltpu.sync_copy(eout_hbm.at[idx_v], row_v)
            pltpu.sync_copy(row_v, comb_hbm.at[pl.ds(b, _CHUNK)])

    return combine_kernel(eout, slot)


def _scale_body(c_ref, g_ref, o_ref):
    g = g_ref[...]
    o_ref[...] = jnp.where(g > 0.0, g * c_ref[...], 0.0)


def _scale(comb, gwt):
    t = comb.shape[0]
    sb = 512
    return pl.pallas_call(
        _scale_body,
        grid=(t // sb,),
        in_specs=[
            pl.BlockSpec((sb, DIM), lambda i: (i, 0)),
            pl.BlockSpec((sb, 1), lambda i: (i, 0)),
        ],
        out_specs=pl.BlockSpec((sb, DIM), lambda i: (i, 0)),
        out_shape=jax.ShapeDtypeStruct((t, DIM), jnp.float32),
    )(comb, gwt)


def kernel(x, gate_w, gate_b, w2, w3, w1, deterministic):
    b, s, d = x.shape
    t = b * s
    cap = int(t / E * CAPACITY_FACTOR)
    xf = x.reshape(t, d)
    gwp = jnp.zeros((d, EPAD), jnp.float32).at[:, :E].set(gate_w)
    gbp = jnp.zeros((1, EPAD), jnp.float32).at[0, :E].set(gate_b)

    slot2d, gwt = _routing(xf, gwp, gbp, cap)
    slot = slot2d.reshape(t)

    disp_rows = E * cap + 8
    disp = _dispatch(xf, slot, disp_rows)
    eout = _ffn(disp, w2, w3, w1, cap)
    comb = _combine(eout, slot, t)
    out = _scale(comb, gwt)
    return out.reshape(b, s, d)

# --- scband reference (transcript-rebuilt; emitter-appended) ---
"""Pipeline reference for scband-smo-e-56324201120513 (READ-ONLY COPY).

The authoritative reference and input builder live on the scoring server;
editing this copy changes nothing except your own understanding.
"""

import jax, jax.numpy as jnp
import numpy as np

DIM = 1024
HIDDEN = 2048
NUM_EXPERTS = 8
CAPACITY_FACTOR = 1.25
ALPHA = 0.01


def setup_inputs(seed: int = 0) -> dict:
    key = jax.random.key(seed)
    ks = jax.random.split(key, 6)
    x = jax.random.normal(ks[0], (2, 2048, DIM), dtype=jnp.float32)
    gate_w = jax.random.normal(ks[1], (DIM, NUM_EXPERTS), dtype=jnp.float32) * 0.02
    gate_b = jnp.zeros((NUM_EXPERTS,), dtype=jnp.float32)
    w2 = jax.random.normal(ks[2], (NUM_EXPERTS, DIM, HIDDEN), dtype=jnp.float32) * 0.02
    w3 = jax.random.normal(ks[3], (NUM_EXPERTS, DIM, HIDDEN), dtype=jnp.float32) * 0.02
    w1 = jax.random.normal(ks[4], (NUM_EXPERTS, HIDDEN, DIM), dtype=jnp.float32) * 0.02
    return {"x": x, "gate_w": gate_w, "gate_b": gate_b, "w2": w2, "w3": w3, "w1": w1, "deterministic": 1}


def reference(x, gate_w, gate_b, w2, w3, w1, deterministic):
    b, s, d = x.shape
    xf = x.reshape(-1, d)
    num_tokens = xf.shape[0]
    capacity = int(num_tokens / NUM_EXPERTS * CAPACITY_FACTOR)
    gate_logits = xf @ gate_w + gate_b
    # deterministic path: no gate noise, no dropout
    token_for_expert = jnp.argmax(gate_logits, axis=1)
    expert_label = jax.nn.one_hot(token_for_expert, num_classes=NUM_EXPERTS)
    cumsum_expert = jnp.cumsum(expert_label, axis=0)
    token_for_expert_seq = cumsum_expert * expert_label
    val_token_for_expert_list = jnp.where((token_for_expert_seq > 0) & (token_for_expert_seq <= capacity), True, False)
    val_token_for_expert = jnp.any(val_token_for_expert_list, axis=1)
    weights = jax.nn.softmax(gate_logits, axis=-1)
    expert_output = jnp.zeros_like(xf)
    for i in range(NUM_EXPERTS):
        combined_mask = val_token_for_expert & (token_for_expert == i)
        # Expert i: SwiGLU FFN: dense1(silu(dense2(x)) * dense3(x))
        h = jax.nn.silu(xf @ w2[i]) * (xf @ w3[i])
        out_i = h @ w1[i]
        # equivalent to expert_output.at[mask].set(expert(x[mask]))
        expert_output = jnp.where(combined_mask[:, None], out_i, expert_output)
    gate_weights = jnp.sum(weights * expert_label, axis=1, keepdims=True)
    weighted_output = gate_weights * expert_output
    return weighted_output.reshape(b, s, d)

if __name__ == "__main__":
    import jax
    _d = setup_inputs()
    print(jax.jit(kernel)(*tuple(_d.values())))

</pallas_src>

<mosaic_0001>
#map = affine_map<(d0, d1) -> (0, 0)>
#map1 = affine_map<(d0, d1) -> (0)>
module attributes {stable_mosaic.version = 14 : i64} {
  func.func @dispatch_kernel(%arg0: i32, %arg1: i32, %arg2: memref<4096x1024xf32, #tpu.memory_space<hbm>>, %arg3: memref<4096xi32, #tpu.memory_space<hbm>>, %arg4: memref<5128x1024xf32, #tpu.memory_space<hbm>>, %arg5: memref<32xi32, #tpu.memory_space<vmem>>, %arg6: memref<32x1024xf32, #tpu.memory_space<vmem>>) attributes {dimension_semantics = [#tpu.dimension_semantics<core_parallel>, #tpu.dimension_semantics<subcore_parallel>], iteration_bounds = array<i64: 2, 16>, scalar_prefetch = 0 : i64, scratch_operands = 2 : i64, tpu.core_type = #tpu.core_type<sc_vector_subcore>, window_params = [{transform_indices = #map}, {transform_indices = #map1}, {transform_indices = #map}]} {
    %mul3A = arith.constant 2 : i32
    %mul3A_0 = arith.muli %arg1, %mul3A : i32
    %add3A = arith.addi %mul3A_0, %arg0 : i32
    %mul3A_1 = arith.constant 128 : i32
    %mul3A_2 = arith.muli %add3A, %mul3A_1 : i32
    %add3A_3 = arith.constant 0 : i32
    %add3A_4 = arith.addi %mul3A_2, %add3A_3 : i32
    "tpu.region"() ({
      %run_scoped3A = tpu.sem_alloc : memref<!tpu.dma_semaphore, #tpu.memory_space<semaphore_mem>>
      %dma_start3A = tpu.memref_slice %arg3[%add3A_4] : memref<4096xi32, #tpu.memory_space<hbm>> -> memref<32xi32, #tpu.memory_space<hbm>>
      %dma_start3A_11 = tpu.memref_slice %arg3[%add3A_4] : memref<4096xi32, #tpu.memory_space<hbm>> -> memref<32xi32, #tpu.memory_space<hbm>>
      tpu.enqueue_dma source(%dma_start3A_11 : memref<32xi32, #tpu.memory_space<hbm>>) target(%arg5 : memref<32xi32, #tpu.memory_space<vmem>>) target_semaphore(%run_scoped3A : memref<!tpu.dma_semaphore, #tpu.memory_space<semaphore_mem>>)
      %dma_wait3A = tpu.memref_slice %arg3[%add3A_4] : memref<4096xi32, #tpu.memory_space<hbm>> -> memref<32xi32, #tpu.memory_space<hbm>>
      %dma_wait3A_12 = tpu.memref_slice %arg3[%add3A_4] : memref<4096xi32, #tpu.memory_space<hbm>> -> memref<32xi32, #tpu.memory_space<hbm>>
      tpu.wait_dma2 semaphore(%run_scoped3A : memref<!tpu.dma_semaphore, #tpu.memory_space<semaphore_mem>>) src(%dma_wait3A_12 : memref<32xi32, #tpu.memory_space<hbm>>) dst(%arg5 : memref<32xi32, #tpu.memory_space<vmem>>)
      tpu.yield
    }) : () -> ()
    "tpu.region"() ({
      %run_scoped3A = tpu.sem_alloc : memref<!tpu.dma_semaphore, #tpu.memory_space<semaphore_mem>>
      %dma_start3A = arith.constant 0 : i32
      %dma_start3A_11 = tpu.memref_slice %arg2[%add3A_4, %dma_start3A] : memref<4096x1024xf32, #tpu.memory_space<hbm>> -> memref<32x1024xf32, #tpu.memory_space<hbm>>
      %dma_start3A_12 = arith.constant 0 : i32
      %dma_start3A_13 = tpu.memref_slice %arg2[%add3A_4, %dma_start3A_12] : memref<4096x1024xf32, #tpu.memory_space<hbm>> -> memref<32x1024xf32, #tpu.memory_space<hbm>>
      tpu.enqueue_dma source(%dma_start3A_13 : memref<32x1024xf32, #tpu.memory_space<hbm>>) target(%arg6 : memref<32x1024xf32, #tpu.memory_space<vmem>>) target_semaphore(%run_scoped3A : memref<!tpu.dma_semaphore, #tpu.memory_space<semaphore_mem>>)
      %dma_wait3A = arith.constant 0 : i32
      %dma_wait3A_14 = tpu.memref_slice %arg2[%add3A_4, %dma_wait3A] : memref<4096x1024xf32, #tpu.memory_space<hbm>> -> memref<32x1024xf32, #tpu.memory_space<hbm>>
      %dma_wait3A_15 = arith.constant 0 : i32
      %dma_wait3A_16 = tpu.memref_slice %arg2[%add3A_4, %dma_wait3A_15] : memref<4096x1024xf32, #tpu.memory_space<hbm>> -> memref<32x1024xf32, #tpu.memory_space<hbm>>
      tpu.wait_dma2 semaphore(%run_scoped3A : memref<!tpu.dma_semaphore, #tpu.memory_space<semaphore_mem>>) src(%dma_wait3A_16 : memref<32x1024xf32, #tpu.memory_space<hbm>>) dst(%arg6 : memref<32x1024xf32, #tpu.memory_space<vmem>>)
      tpu.yield
    }) : () -> ()
    "tpu.region"() ({
      %run_scoped3A = tpu.sem_alloc : memref<!tpu.dma_semaphore, #tpu.memory_space<semaphore_mem>>
      %dma_start3A = arith.constant 0 : i32
      %dma_start3A_11 = arith.constant 0 : i32
      %dma_start3A_12 = tpu.memref_slice %arg4[%dma_start3A, %dma_start3A_11] : memref<5128x1024xf32, #tpu.memory_space<hbm>> -> memref<5128x1024xf32, #tpu.memory_space<hbm>>
      tpu.enqueue_indirect_dma source(%arg6 : memref<32x1024xf32, #tpu.memory_space<vmem>>) target(%dma_start3A_12 : memref<5128x1024xf32, #tpu.memory_space<hbm>>) offsets(%arg5 : memref<32xi32, #tpu.memory_space<vmem>>) semaphore(%run_scoped3A : memref<!tpu.dma_semaphore, #tpu.memory_space<semaphore_mem>>)
      %dma_wait3A = arith.constant 0 : i32
      %dma_wait3A_13 = arith.constant 0 : i32
      %dma_wait3A_14 = tpu.memref_slice %arg4[%dma_wait3A, %dma_wait3A_13] : memref<5128x1024xf32, #tpu.memory_space<hbm>> -> memref<5128x1024xf32, #tpu.memory_space<hbm>>
      tpu.wait_indirect_dma semaphore(%run_scoped3A : memref<!tpu.dma_semaphore, #tpu.memory_space<semaphore_mem>>) src(%arg6 : memref<32x1024xf32, #tpu.memory_space<vmem>>) dst(%dma_wait3A_14 : memref<5128x1024xf32, #tpu.memory_space<hbm>>)
      tpu.yield
    }) : () -> ()
    %add3A_5 = arith.constant 32 : i32
    %add3A_6 = arith.addi %mul3A_2, %add3A_5 : i32
    "tpu.region"() ({
      %run_scoped3A = tpu.sem_alloc : memref<!tpu.dma_semaphore, #tpu.memory_space<semaphore_mem>>
      %dma_start3A = tpu.memref_slice %arg3[%add3A_6] : memref<4096xi32, #tpu.memory_space<hbm>> -> memref<32xi32, #tpu.memory_space<hbm>>
      %dma_start3A_11 = tpu.memref_slice %arg3[%add3A_6] : memref<4096xi32, #tpu.memory_space<hbm>> -> memref<32xi32, #tpu.memory_space<hbm>>
      tpu.enqueue_dma source(%dma_start3A_11 : memref<32xi32, #tpu.memory_space<hbm>>) target(%arg5 : memref<32xi32, #tpu.memory_space<vmem>>) target_semaphore(%run_scoped3A : memref<!tpu.dma_semaphore, #tpu.memory_space<semaphore_mem>>)
      %dma_wait3A = tpu.memref_slice %arg3[%add3A_6] : memref<4096xi32, #tpu.memory_space<hbm>> -> memref<32xi32, #tpu.memory_space<hbm>>
      %dma_wait3A_12 = tpu.memref_slice %arg3[%add3A_6] : memref<4096xi32, #tpu.memory_space<hbm>> -> memref<32xi32, #tpu.memory_space<hbm>>
      tpu.wait_dma2 semaphore(%run_scoped3A : memref<!tpu.dma_semaphore, #tpu.memory_space<semaphore_mem>>) src(%dma_wait3A_12 : memref<32xi32, #tpu.memory_space<hbm>>) dst(%arg5 : memref<32xi32, #tpu.memory_space<vmem>>)
      tpu.yield
    }) : () -> ()
    "tpu.region"() ({
      %run_scoped3A = tpu.sem_alloc : memref<!tpu.dma_semaphore, #tpu.memory_space<semaphore_mem>>
      %dma_start3A = arith.constant 0 : i32
      %dma_start3A_11 = tpu.memref_slice %arg2[%add3A_6, %dma_start3A] : memref<4096x1024xf32, #tpu.memory_space<hbm>> -> memref<32x1024xf32, #tpu.memory_space<hbm>>
      %dma_start3A_12 = arith.constant 0 : i32
      %dma_start3A_13 = tpu.memref_slice %arg2[%add3A_6, %dma_start3A_12] : memref<4096x1024xf32, #tpu.memory_space<hbm>> -> memref<32x1024xf32, #tpu.memory_space<hbm>>
      tpu.enqueue_dma source(%dma_start3A_13 : memref<32x1024xf32, #tpu.memory_space<hbm>>) target(%arg6 : memref<32x1024xf32, #tpu.memory_space<vmem>>) target_semaphore(%run_scoped3A : memref<!tpu.dma_semaphore, #tpu.memory_space<semaphore_mem>>)
      %dma_wait3A = arith.constant 0 : i32
      %dma_wait3A_14 = tpu.memref_slice %arg2[%add3A_6, %dma_wait3A] : memref<4096x1024xf32, #tpu.memory_space<hbm>> -> memref<32x1024xf32, #tpu.memory_space<hbm>>
      %dma_wait3A_15 = arith.constant 0 : i32
      %dma_wait3A_16 = tpu.memref_slice %arg2[%add3A_6, %dma_wait3A_15] : memref<4096x1024xf32, #tpu.memory_space<hbm>> -> memref<32x1024xf32, #tpu.memory_space<hbm>>
      tpu.wait_dma2 semaphore(%run_scoped3A : memref<!tpu.dma_semaphore, #tpu.memory_space<semaphore_mem>>) src(%dma_wait3A_16 : memref<32x1024xf32, #tpu.memory_space<hbm>>) dst(%arg6 : memref<32x1024xf32, #tpu.memory_space<vmem>>)
      tpu.yield
    }) : () -> ()
    "tpu.region"() ({
      %run_scoped3A = tpu.sem_alloc : memref<!tpu.dma_semaphore, #tpu.memory_space<semaphore_mem>>
      %dma_start3A = arith.constant 0 : i32
      %dma_start3A_11 = arith.constant 0 : i32
      %dma_start3A_12 = tpu.memref_slice %arg4[%dma_start3A, %dma_start3A_11] : memref<5128x1024xf32, #tpu.memory_space<hbm>> -> memref<5128x1024xf32, #tpu.memory_space<hbm>>
      tpu.enqueue_indirect_dma source(%arg6 : memref<32x1024xf32, #tpu.memory_space<vmem>>) target(%dma_start3A_12 : memref<5128x1024xf32, #tpu.memory_space<hbm>>) offsets(%arg5 : memref<32xi32, #tpu.memory_space<vmem>>) semaphore(%run_scoped3A : memref<!tpu.dma_semaphore, #tpu.memory_space<semaphore_mem>>)
      %dma_wait3A = arith.constant 0 : i32
      %dma_wait3A_13 = arith.constant 0 : i32
      %dma_wait3A_14 = tpu.memref_slice %arg4[%dma_wait3A, %dma_wait3A_13] : memref<5128x1024xf32, #tpu.memory_space<hbm>> -> memref<5128x1024xf32, #tpu.memory_space<hbm>>
      tpu.wait_indirect_dma semaphore(%run_scoped3A : memref<!tpu.dma_semaphore, #tpu.memory_space<semaphore_mem>>) src(%arg6 : memref<32x1024xf32, #tpu.memory_space<vmem>>) dst(%dma_wait3A_14 : memref<5128x1024xf32, #tpu.memory_space<hbm>>)
      tpu.yield
    }) : () -> ()
    %add3A_7 = arith.constant 64 : i32
    %add3A_8 = arith.addi %mul3A_2, %add3A_7 : i32
    "tpu.region"() ({
      %run_scoped3A = tpu.sem_alloc : memref<!tpu.dma_semaphore, #tpu.memory_space<semaphore_mem>>
      %dma_start3A = tpu.memref_slice %arg3[%add3A_8] : memref<4096xi32, #tpu.memory_space<hbm>> -> memref<32xi32, #tpu.memory_space<hbm>>
      %dma_start3A_11 = tpu.memref_slice %arg3[%add3A_8] : memref<4096xi32, #tpu.memory_space<hbm>> -> memref<32xi32, #tpu.memory_space<hbm>>
      tpu.enqueue_dma source(%dma_start3A_11 : memref<32xi32, #tpu.memory_space<hbm>>) target(%arg5 : memref<32xi32, #tpu.memory_space<vmem>>) target_semaphore(%run_scoped3A : memref<!tpu.dma_semaphore, #tpu.memory_space<semaphore_mem>>)
      %dma_wait3A = tpu.memref_slice %arg3[%add3A_8] : memref<4096xi32, #tpu.memory_space<hbm>> -> memref<32xi32, #tpu.memory_space<hbm>>
      %dma_wait3A_12 = tpu.memref_slice %arg3[%add3A_8] : memref<4096xi32, #tpu.memory_space<hbm>> -> memref<32xi32, #tpu.memory_space<hbm>>
      tpu.wait_dma2 semaphore(%run_scoped3A : memref<!tpu.dma_semaphore, #tpu.memory_space<semaphore_mem>>) src(%dma_wait3A_12 : memref<32xi32, #tpu.memory_space<hbm>>) dst(%arg5 : memref<32xi32, #tpu.memory_space<vmem>>)
      tpu.yield
    }) : () -> ()
    "tpu.region"() ({
      %run_scoped3A = tpu.sem_alloc : memref<!tpu.dma_semaphore, #tpu.memory_space<semaphore_mem>>
      %dma_start3A = arith.constant 0 : i32
      %dma_start3A_11 = tpu.memref_slice %arg2[%add3A_8, %dma_start3A] : memref<4096x1024xf32, #tpu.memory_space<hbm>> -> memref<32x1024xf32, #tpu.memory_space<hbm>>
      %dma_start3A_12 = arith.constant 0 : i32
      %dma_start3A_13 = tpu.memref_slice %arg2[%add3A_8, %dma_start3A_12] : memref<4096x1024xf32, #tpu.memory_space<hbm>> -> memref<32x1024xf32, #tpu.memory_space<hbm>>
      tpu.enqueue_dma source(%dma_start3A_13 : memref<32x1024xf32, #tpu.memory_space<hbm>>) target(%arg6 : memref<32x1024xf32, #tpu.memory_space<vmem>>) target_semaphore(%run_scoped3A : memref<!tpu.dma_semaphore, #tpu.memory_space<semaphore_mem>>)
      %dma_wait3A = arith.constant 0 : i32
      %dma_wait3A_14 = tpu.memref_slice %arg2[%add3A_8, %dma_wait3A] : memref<4096x1024xf32, #tpu.memory_space<hbm>> -> memref<32x1024xf32, #tpu.memory_space<hbm>>
      %dma_wait3A_15 = arith.constant 0 : i32
      %dma_wait3A_16 = tpu.memref_slice %arg2[%add3A_8, %dma_wait3A_15] : memref<4096x1024xf32, #tpu.memory_space<hbm>> -> memref<32x1024xf32, #tpu.memory_space<hbm>>
      tpu.wait_dma2 semaphore(%run_scoped3A : memref<!tpu.dma_semaphore, #tpu.memory_space<semaphore_mem>>) src(%dma_wait3A_16 : memref<32x1024xf32, #tpu.memory_space<hbm>>) dst(%arg6 : memref<32x1024xf32, #tpu.memory_space<vmem>>)
      tpu.yield
    }) : () -> ()
    "tpu.region"() ({
      %run_scoped3A = tpu.sem_alloc : memref<!tpu.dma_semaphore, #tpu.memory_space<semaphore_mem>>
      %dma_start3A = arith.constant 0 : i32
      %dma_start3A_11 = arith.constant 0 : i32
      %dma_start3A_12 = tpu.memref_slice %arg4[%dma_start3A, %dma_start3A_11] : memref<5128x1024xf32, #tpu.memory_space<hbm>> -> memref<5128x1024xf32, #tpu.memory_space<hbm>>
      tpu.enqueue_indirect_dma source(%arg6 : memref<32x1024xf32, #tpu.memory_space<vmem>>) target(%dma_start3A_12 : memref<5128x1024xf32, #tpu.memory_space<hbm>>) offsets(%arg5 : memref<32xi32, #tpu.memory_space<vmem>>) semaphore(%run_scoped3A : memref<!tpu.dma_semaphore, #tpu.memory_space<semaphore_mem>>)
      %dma_wait3A = arith.constant 0 : i32
      %dma_wait3A_13 = arith.constant 0 : i32
      %dma_wait3A_14 = tpu.memref_slice %arg4[%dma_wait3A, %dma_wait3A_13] : memref<5128x1024xf32, #tpu.memory_space<hbm>> -> memref<5128x1024xf32, #tpu.memory_space<hbm>>
      tpu.wait_indirect_dma semaphore(%run_scoped3A : memref<!tpu.dma_semaphore, #tpu.memory_space<semaphore_mem>>) src(%arg6 : memref<32x1024xf32, #tpu.memory_space<vmem>>) dst(%dma_wait3A_14 : memref<5128x1024xf32, #tpu.memory_space<hbm>>)
      tpu.yield
    }) : () -> ()
    %add3A_9 = arith.constant 96 : i32
    %add3A_10 = arith.addi %mul3A_2, %add3A_9 : i32
    "tpu.region"() ({
      %run_scoped3A = tpu.sem_alloc : memref<!tpu.dma_semaphore, #tpu.memory_space<semaphore_mem>>
      %dma_start3A = tpu.memref_slice %arg3[%add3A_10] : memref<4096xi32, #tpu.memory_space<hbm>> -> memref<32xi32, #tpu.memory_space<hbm>>
      %dma_start3A_11 = tpu.memref_slice %arg3[%add3A_10] : memref<4096xi32, #tpu.memory_space<hbm>> -> memref<32xi32, #tpu.memory_space<hbm>>
      tpu.enqueue_dma source(%dma_start3A_11 : memref<32xi32, #tpu.memory_space<hbm>>) target(%arg5 : memref<32xi32, #tpu.memory_space<vmem>>) target_semaphore(%run_scoped3A : memref<!tpu.dma_semaphore, #tpu.memory_space<semaphore_mem>>)
      %dma_wait3A = tpu.memref_slice %arg3[%add3A_10] : memref<4096xi32, #tpu.memory_space<hbm>> -> memref<32xi32, #tpu.memory_space<hbm>>
      %dma_wait3A_12 = tpu.memref_slice %arg3[%add3A_10] : memref<4096xi32, #tpu.memory_space<hbm>> -> memref<32xi32, #tpu.memory_space<hbm>>
      tpu.wait_dma2 semaphore(%run_scoped3A : memref<!tpu.dma_semaphore, #tpu.memory_space<semaphore_mem>>) src(%dma_wait3A_12 : memref<32xi32, #tpu.memory_space<hbm>>) dst(%arg5 : memref<32xi32, #tpu.memory_space<vmem>>)
      tpu.yield
    }) : () -> ()
    "tpu.region"() ({
      %run_scoped3A = tpu.sem_alloc : memref<!tpu.dma_semaphore, #tpu.memory_space<semaphore_mem>>
      %dma_start3A = arith.constant 0 : i32
      %dma_start3A_11 = tpu.memref_slice %arg2[%add3A_10, %dma_start3A] : memref<4096x1024xf32, #tpu.memory_space<hbm>> -> memref<32x1024xf32, #tpu.memory_space<hbm>>
      %dma_start3A_12 = arith.constant 0 : i32
      %dma_start3A_13 = tpu.memref_slice %arg2[%add3A_10, %dma_start3A_12] : memref<4096x1024xf32, #tpu.memory_space<hbm>> -> memref<32x1024xf32, #tpu.memory_space<hbm>>
      tpu.enqueue_dma source(%dma_start3A_13 : memref<32x1024xf32, #tpu.memory_space<hbm>>) target(%arg6 : memref<32x1024xf32, #tpu.memory_space<vmem>>) target_semaphore(%run_scoped3A : memref<!tpu.dma_semaphore, #tpu.memory_space<semaphore_mem>>)
      %dma_wait3A = arith.constant 0 : i32
      %dma_wait3A_14 = tpu.memref_slice %arg2[%add3A_10, %dma_wait3A] : memref<4096x1024xf32, #tpu.memory_space<hbm>> -> memref<32x1024xf32, #tpu.memory_space<hbm>>
      %dma_wait3A_15 = arith.constant 0 : i32
      %dma_wait3A_16 = tpu.memref_slice %arg2[%add3A_10, %dma_wait3A_15] : memref<4096x1024xf32, #tpu.memory_space<hbm>> -> memref<32x1024xf32, #tpu.memory_space<hbm>>
      tpu.wait_dma2 semaphore(%run_scoped3A : memref<!tpu.dma_semaphore, #tpu.memory_space<semaphore_mem>>) src(%dma_wait3A_16 : memref<32x1024xf32, #tpu.memory_space<hbm>>) dst(%arg6 : memref<32x1024xf32, #tpu.memory_space<vmem>>)
      tpu.yield
    }) : () -> ()
    "tpu.region"() ({
      %run_scoped3A = tpu.sem_alloc : memref<!tpu.dma_semaphore, #tpu.memory_space<semaphore_mem>>
      %dma_start3A = arith.constant 0 : i32
      %dma_start3A_11 = arith.constant 0 : i32
      %dma_start3A_12 = tpu.memref_slice %arg4[%dma_start3A, %dma_start3A_11] : memref<5128x1024xf32, #tpu.memory_space<hbm>> -> memref<5128x1024xf32, #tpu.memory_space<hbm>>
      tpu.enqueue_indirect_dma source(%arg6 : memref<32x1024xf32, #tpu.memory_space<vmem>>) target(%dma_start3A_12 : memref<5128x1024xf32, #tpu.memory_space<hbm>>) offsets(%arg5 : memref<32xi32, #tpu.memory_space<vmem>>) semaphore(%run_scoped3A : memref<!tpu.dma_semaphore, #tpu.memory_space<semaphore_mem>>)
      %dma_wait3A = arith.constant 0 : i32
      %dma_wait3A_13 = arith.constant 0 : i32
      %dma_wait3A_14 = tpu.memref_slice %arg4[%dma_wait3A, %dma_wait3A_13] : memref<5128x1024xf32, #tpu.memory_space<hbm>> -> memref<5128x1024xf32, #tpu.memory_space<hbm>>
      tpu.wait_indirect_dma semaphore(%run_scoped3A : memref<!tpu.dma_semaphore, #tpu.memory_space<semaphore_mem>>) src(%arg6 : memref<32x1024xf32, #tpu.memory_space<vmem>>) dst(%dma_wait3A_14 : memref<5128x1024xf32, #tpu.memory_space<hbm>>)
      tpu.yield
    }) : () -> ()
    return
  }
}

#map = affine_map<(d0, d1) -> (0, 0)>
#map1 = affine_map<(d0, d1) -> (0)>
module attributes {stable_mosaic.version = 14 : i64} {
  func.func @combine_kernel(%arg0: i32, %arg1: i32, %arg2: memref<5128x1024xf32, #tpu.memory_space<hbm>>, %arg3: memref<4096xi32, #tpu.memory_space<hbm>>, %arg4: memref<4096x1024xf32, #tpu.memory_space<hbm>>, %arg5: memref<32xi32, #tpu.memory_space<vmem>>, %arg6: memref<32x1024xf32, #tpu.memory_space<vmem>>) attributes {dimension_semantics = [#tpu.dimension_semantics<core_parallel>, #tpu.dimension_semantics<subcore_parallel>], iteration_bounds = array<i64: 2, 16>, scalar_prefetch = 0 : i64, scratch_operands = 2 : i64, tpu.core_type = #tpu.core_type<sc_vector_subcore>, window_params = [{transform_indices = #map}, {transform_indices = #map1}, {transform_indices = #map}]} {
    %mul3A = arith.constant 2 : i32
    %mul3A_0 = arith.muli %arg1, %mul3A : i32
    %add3A = arith.addi %mul3A_0, %arg0 : i32
    %mul3A_1 = arith.constant 128 : i32
    %mul3A_2 = arith.muli %add3A, %mul3A_1 : i32
    %add3A_3 = arith.constant 0 : i32
    %add3A_4 = arith.addi %mul3A_2, %add3A_3 : i32
    "tpu.region"() ({
      %run_scoped3A = tpu.sem_alloc : memref<!tpu.dma_semaphore, #tpu.memory_space<semaphore_mem>>
      %dma_start3A = tpu.memref_slice %arg3[%add3A_4] : memref<4096xi32, #tpu.memory_space<hbm>> -> memref<32xi32, #tpu.memory_space<hbm>>
      %dma_start3A_11 = tpu.memref_slice %arg3[%add3A_4] : memref<4096xi32, #tpu.memory_space<hbm>> -> memref<32xi32, #tpu.memory_space<hbm>>
      tpu.enqueue_dma source(%dma_start3A_11 : memref<32xi32, #tpu.memory_space<hbm>>) target(%arg5 : memref<32xi32, #tpu.memory_space<vmem>>) target_semaphore(%run_scoped3A : memref<!tpu.dma_semaphore, #tpu.memory_space<semaphore_mem>>)
      %dma_wait3A = tpu.memref_slice %arg3[%add3A_4] : memref<4096xi32, #tpu.memory_space<hbm>> -> memref<32xi32, #tpu.memory_space<hbm>>
      %dma_wait3A_12 = tpu.memref_slice %arg3[%add3A_4] : memref<4096xi32, #tpu.memory_space<hbm>> -> memref<32xi32, #tpu.memory_space<hbm>>
      tpu.wait_dma2 semaphore(%run_scoped3A : memref<!tpu.dma_semaphore, #tpu.memory_space<semaphore_mem>>) src(%dma_wait3A_12 : memref<32xi32, #tpu.memory_space<hbm>>) dst(%arg5 : memref<32xi32, #tpu.memory_space<vmem>>)
      tpu.yield
    }) : () -> ()
    "tpu.region"() ({
      %run_scoped3A = tpu.sem_alloc : memref<!tpu.dma_semaphore, #tpu.memory_space<semaphore_mem>>
      %dma_start3A = arith.constant 0 : i32
      %dma_start3A_11 = arith.constant 0 : i32
      %dma_start3A_12 = tpu.memref_slice %arg2[%dma_start3A, %dma_start3A_11] : memref<5128x1024xf32, #tpu.memory_space<hbm>> -> memref<5128x1024xf32, #tpu.memory_space<hbm>>
      tpu.enqueue_indirect_dma source(%dma_start3A_12 : memref<5128x1024xf32, #tpu.memory_space<hbm>>) target(%arg6 : memref<32x1024xf32, #tpu.memory_space<vmem>>) offsets(%arg5 : memref<32xi32, #tpu.memory_space<vmem>>) semaphore(%run_scoped3A : memref<!tpu.dma_semaphore, #tpu.memory_space<semaphore_mem>>)
      %dma_wait3A = arith.constant 0 : i32
      %dma_wait3A_13 = arith.constant 0 : i32
      %dma_wait3A_14 = tpu.memref_slice %arg2[%dma_wait3A, %dma_wait3A_13] : memref<5128x1024xf32, #tpu.memory_space<hbm>> -> memref<5128x1024xf32, #tpu.memory_space<hbm>>
      tpu.wait_indirect_dma semaphore(%run_scoped3A : memref<!tpu.dma_semaphore, #tpu.memory_space<semaphore_mem>>) src(%dma_wait3A_14 : memref<5128x1024xf32, #tpu.memory_space<hbm>>) dst(%arg6 : memref<32x1024xf32, #tpu.memory_space<vmem>>)
      tpu.yield
    }) : () -> ()
    "tpu.region"() ({
      %run_scoped3A = tpu.sem_alloc : memref<!tpu.dma_semaphore, #tpu.memory_space<semaphore_mem>>
      %dma_start3A = arith.constant 0 : i32
      %dma_start3A_11 = tpu.memref_slice %arg4[%add3A_4, %dma_start3A] : memref<4096x1024xf32, #tpu.memory_space<hbm>> -> memref<32x1024xf32, #tpu.memory_space<hbm>>
      %dma_start3A_12 = arith.constant 0 : i32
      %dma_start3A_13 = tpu.memref_slice %arg4[%add3A_4, %dma_start3A_12] : memref<4096x1024xf32, #tpu.memory_space<hbm>> -> memref<32x1024xf32, #tpu.memory_space<hbm>>
      tpu.enqueue_dma source(%arg6 : memref<32x1024xf32, #tpu.memory_space<vmem>>) target(%dma_start3A_13 : memref<32x1024xf32, #tpu.memory_space<hbm>>) target_semaphore(%run_scoped3A : memref<!tpu.dma_semaphore, #tpu.memory_space<semaphore_mem>>)
      %dma_wait3A = arith.constant 0 : i32
      %dma_wait3A_14 = tpu.memref_slice %arg4[%add3A_4, %dma_wait3A] : memref<4096x1024xf32, #tpu.memory_space<hbm>> -> memref<32x1024xf32, #tpu.memory_space<hbm>>
      %dma_wait3A_15 = arith.constant 0 : i32
      %dma_wait3A_16 = tpu.memref_slice %arg4[%add3A_4, %dma_wait3A_15] : memref<4096x1024xf32, #tpu.memory_space<hbm>> -> memref<32x1024xf32, #tpu.memory_space<hbm>>
      tpu.wait_dma2 semaphore(%run_scoped3A : memref<!tpu.dma_semaphore, #tpu.memory_space<semaphore_mem>>) src(%arg6 : memref<32x1024xf32, #tpu.memory_space<vmem>>) dst(%dma_wait3A_16 : memref<32x1024xf32, #tpu.memory_space<hbm>>)
      tpu.yield
    }) : () -> ()
    %add3A_5 = arith.constant 32 : i32
    %add3A_6 = arith.addi %mul3A_2, %add3A_5 : i32
    "tpu.region"() ({
      %run_scoped3A = tpu.sem_alloc : memref<!tpu.dma_semaphore, #tpu.memory_space<semaphore_mem>>
      %dma_start3A = tpu.memref_slice %arg3[%add3A_6] : memref<4096xi32, #tpu.memory_space<hbm>> -> memref<32xi32, #tpu.memory_space<hbm>>
      %dma_start3A_11 = tpu.memref_slice %arg3[%add3A_6] : memref<4096xi32, #tpu.memory_space<hbm>> -> memref<32xi32, #tpu.memory_space<hbm>>
      tpu.enqueue_dma source(%dma_start3A_11 : memref<32xi32, #tpu.memory_space<hbm>>) target(%arg5 : memref<32xi32, #tpu.memory_space<vmem>>) target_semaphore(%run_scoped3A : memref<!tpu.dma_semaphore, #tpu.memory_space<semaphore_mem>>)
      %dma_wait3A = tpu.memref_slice %arg3[%add3A_6] : memref<4096xi32, #tpu.memory_space<hbm>> -> memref<32xi32, #tpu.memory_space<hbm>>
      %dma_wait3A_12 = tpu.memref_slice %arg3[%add3A_6] : memref<4096xi32, #tpu.memory_space<hbm>> -> memref<32xi32, #tpu.memory_space<hbm>>
      tpu.wait_dma2 semaphore(%run_scoped3A : memref<!tpu.dma_semaphore, #tpu.memory_space<semaphore_mem>>) src(%dma_wait3A_12 : memref<32xi32, #tpu.memory_space<hbm>>) dst(%arg5 : memref<32xi32, #tpu.memory_space<vmem>>)
      tpu.yield
    }) : () -> ()
    "tpu.region"() ({
      %run_scoped3A = tpu.sem_alloc : memref<!tpu.dma_semaphore, #tpu.memory_space<semaphore_mem>>
      %dma_start3A = arith.constant 0 : i32
      %dma_start3A_11 = arith.constant 0 : i32
      %dma_start3A_12 = tpu.memref_slice %arg2[%dma_start3A, %dma_start3A_11] : memref<5128x1024xf32, #tpu.memory_space<hbm>> -> memref<5128x1024xf32, #tpu.memory_space<hbm>>
      tpu.enqueue_indirect_dma source(%dma_start3A_12 : memref<5128x1024xf32, #tpu.memory_space<hbm>>) target(%arg6 : memref<32x1024xf32, #tpu.memory_space<vmem>>) offsets(%arg5 : memref<32xi32, #tpu.memory_space<vmem>>) semaphore(%run_scoped3A : memref<!tpu.dma_semaphore, #tpu.memory_space<semaphore_mem>>)
      %dma_wait3A = arith.constant 0 : i32
      %dma_wait3A_13 = arith.constant 0 : i32
      %dma_wait3A_14 = tpu.memref_slice %arg2[%dma_wait3A, %dma_wait3A_13] : memref<5128x1024xf32, #tpu.memory_space<hbm>> -> memref<5128x1024xf32, #tpu.memory_space<hbm>>
      tpu.wait_indirect_dma semaphore(%run_scoped3A : memref<!tpu.dma_semaphore, #tpu.memory_space<semaphore_mem>>) src(%dma_wait3A_14 : memref<5128x1024xf32, #tpu.memory_space<hbm>>) dst(%arg6 : memref<32x1024xf32, #tpu.memory_space<vmem>>)
      tpu.yield
    }) : () -> ()
    "tpu.region"() ({
      %run_scoped3A = tpu.sem_alloc : memref<!tpu.dma_semaphore, #tpu.memory_space<semaphore_mem>>
      %dma_start3A = arith.constant 0 : i32
      %dma_start3A_11 = tpu.memref_slice %arg4[%add3A_6, %dma_start3A] : memref<4096x1024xf32, #tpu.memory_space<hbm>> -> memref<32x1024xf32, #tpu.memory_space<hbm>>
      %dma_start3A_12 = arith.constant 0 : i32
      %dma_start3A_13 = tpu.memref_slice %arg4[%add3A_6, %dma_start3A_12] : memref<4096x1024xf32, #tpu.memory_space<hbm>> -> memref<32x1024xf32, #tpu.memory_space<hbm>>
      tpu.enqueue_dma source(%arg6 : memref<32x1024xf32, #tpu.memory_space<vmem>>) target(%dma_start3A_13 : memref<32x1024xf32, #tpu.memory_space<hbm>>) target_semaphore(%run_scoped3A : memref<!tpu.dma_semaphore, #tpu.memory_space<semaphore_mem>>)
      %dma_wait3A = arith.constant 0 : i32
      %dma_wait3A_14 = tpu.memref_slice %arg4[%add3A_6, %dma_wait3A] : memref<4096x1024xf32, #tpu.memory_space<hbm>> -> memref<32x1024xf32, #tpu.memory_space<hbm>>
      %dma_wait3A_15 = arith.constant 0 : i32
      %dma_wait3A_16 = tpu.memref_slice %arg4[%add3A_6, %dma_wait3A_15] : memref<4096x1024xf32, #tpu.memory_space<hbm>> -> memref<32x1024xf32, #tpu.memory_space<hbm>>
      tpu.wait_dma2 semaphore(%run_scoped3A : memref<!tpu.dma_semaphore, #tpu.memory_space<semaphore_mem>>) src(%arg6 : memref<32x1024xf32, #tpu.memory_space<vmem>>) dst(%dma_wait3A_16 : memref<32x1024xf32, #tpu.memory_space<hbm>>)
      tpu.yield
    }) : () -> ()
    %add3A_7 = arith.constant 64 : i32
    %add3A_8 = arith.addi %mul3A_2, %add3A_7 : i32
    "tpu.region"() ({
      %run_scoped3A = tpu.sem_alloc : memref<!tpu.dma_semaphore, #tpu.memory_space<semaphore_mem>>
      %dma_start3A = tpu.memref_slice %arg3[%add3A_8] : memref<4096xi32, #tpu.memory_space<hbm>> -> memref<32xi32, #tpu.memory_space<hbm>>
      %dma_start3A_11 = tpu.memref_slice %arg3[%add3A_8] : memref<4096xi32, #tpu.memory_space<hbm>> -> memref<32xi32, #tpu.memory_space<hbm>>
      tpu.enqueue_dma source(%dma_start3A_11 : memref<32xi32, #tpu.memory_space<hbm>>) target(%arg5 : memref<32xi32, #tpu.memory_space<vmem>>) target_semaphore(%run_scoped3A : memref<!tpu.dma_semaphore, #tpu.memory_space<semaphore_mem>>)
      %dma_wait3A = tpu.memref_slice %arg3[%add3A_8] : memref<4096xi32, #tpu.memory_space<hbm>> -> memref<32xi32, #tpu.memory_space<hbm>>
      %dma_wait3A_12 = tpu.memref_slice %arg3[%add3A_8] : memref<4096xi32, #tpu.memory_space<hbm>> -> memref<32xi32, #tpu.memory_space<hbm>>
      tpu.wait_dma2 semaphore(%run_scoped3A : memref<!tpu.dma_semaphore, #tpu.memory_space<semaphore_mem>>) src(%dma_wait3A_12 : memref<32xi32, #tpu.memory_space<hbm>>) dst(%arg5 : memref<32xi32, #tpu.memory_space<vmem>>)
      tpu.yield
    }) : () -> ()
    "tpu.region"() ({
      %run_scoped3A = tpu.sem_alloc : memref<!tpu.dma_semaphore, #tpu.memory_space<semaphore_mem>>
      %dma_start3A = arith.constant 0 : i32
      %dma_start3A_11 = arith.constant 0 : i32
      %dma_start3A_12 = tpu.memref_slice %arg2[%dma_start3A, %dma_start3A_11] : memref<5128x1024xf32, #tpu.memory_space<hbm>> -> memref<5128x1024xf32, #tpu.memory_space<hbm>>
      tpu.enqueue_indirect_dma source(%dma_start3A_12 : memref<5128x1024xf32, #tpu.memory_space<hbm>>) target(%arg6 : memref<32x1024xf32, #tpu.memory_space<vmem>>) offsets(%arg5 : memref<32xi32, #tpu.memory_space<vmem>>) semaphore(%run_scoped3A : memref<!tpu.dma_semaphore, #tpu.memory_space<semaphore_mem>>)
      %dma_wait3A = arith.constant 0 : i32
      %dma_wait3A_13 = arith.constant 0 : i32
      %dma_wait3A_14 = tpu.memref_slice %arg2[%dma_wait3A, %dma_wait3A_13] : memref<5128x1024xf32, #tpu.memory_space<hbm>> -> memref<5128x1024xf32, #tpu.memory_space<hbm>>
      tpu.wait_indirect_dma semaphore(%run_scoped3A : memref<!tpu.dma_semaphore, #tpu.memory_space<semaphore_mem>>) src(%dma_wait3A_14 : memref<5128x1024xf32, #tpu.memory_space<hbm>>) dst(%arg6 : memref<32x1024xf32, #tpu.memory_space<vmem>>)
      tpu.yield
    }) : () -> ()
    "tpu.region"() ({
      %run_scoped3A = tpu.sem_alloc : memref<!tpu.dma_semaphore, #tpu.memory_space<semaphore_mem>>
      %dma_start3A = arith.constant 0 : i32
      %dma_start3A_11 = tpu.memref_slice %arg4[%add3A_8, %dma_start3A] : memref<4096x1024xf32, #tpu.memory_space<hbm>> -> memref<32x1024xf32, #tpu.memory_space<hbm>>
      %dma_start3A_12 = arith.constant 0 : i32
      %dma_start3A_13 = tpu.memref_slice %arg4[%add3A_8, %dma_start3A_12] : memref<4096x1024xf32, #tpu.memory_space<hbm>> -> memref<32x1024xf32, #tpu.memory_space<hbm>>
      tpu.enqueue_dma source(%arg6 : memref<32x1024xf32, #tpu.memory_space<vmem>>) target(%dma_start3A_13 : memref<32x1024xf32, #tpu.memory_space<hbm>>) target_semaphore(%run_scoped3A : memref<!tpu.dma_semaphore, #tpu.memory_space<semaphore_mem>>)
      %dma_wait3A = arith.constant 0 : i32
      %dma_wait3A_14 = tpu.memref_slice %arg4[%add3A_8, %dma_wait3A] : memref<4096x1024xf32, #tpu.memory_space<hbm>> -> memref<32x1024xf32, #tpu.memory_space<hbm>>
      %dma_wait3A_15 = arith.constant 0 : i32
      %dma_wait3A_16 = tpu.memref_slice %arg4[%add3A_8, %dma_wait3A_15] : memref<4096x1024xf32, #tpu.memory_space<hbm>> -> memref<32x1024xf32, #tpu.memory_space<hbm>>
      tpu.wait_dma2 semaphore(%run_scoped3A : memref<!tpu.dma_semaphore, #tpu.memory_space<semaphore_mem>>) src(%arg6 : memref<32x1024xf32, #tpu.memory_space<vmem>>) dst(%dma_wait3A_16 : memref<32x1024xf32, #tpu.memory_space<hbm>>)
      tpu.yield
    }) : () -> ()
    %add3A_9 = arith.constant 96 : i32
    %add3A_10 = arith.addi %mul3A_2, %add3A_9 : i32
    "tpu.region"() ({
      %run_scoped3A = tpu.sem_alloc : memref<!tpu.dma_semaphore, #tpu.memory_space<semaphore_mem>>
      %dma_start3A = tpu.memref_slice %arg3[%add3A_10] : memref<4096xi32, #tpu.memory_space<hbm>> -> memref<32xi32, #tpu.memory_space<hbm>>
      %dma_start3A_11 = tpu.memref_slice %arg3[%add3A_10] : memref<4096xi32, #tpu.memory_space<hbm>> -> memref<32xi32, #tpu.memory_space<hbm>>
      tpu.enqueue_dma source(%dma_start3A_11 : memref<32xi32, #tpu.memory_space<hbm>>) target(%arg5 : memref<32xi32, #tpu.memory_space<vmem>>) target_semaphore(%run_scoped3A : memref<!tpu.dma_semaphore, #tpu.memory_space<semaphore_mem>>)
      %dma_wait3A = tpu.memref_slice %arg3[%add3A_10] : memref<4096xi32, #tpu.memory_space<hbm>> -> memref<32xi32, #tpu.memory_space<hbm>>
      %dma_wait3A_12 = tpu.memref_slice %arg3[%add3A_10] : memref<4096xi32, #tpu.memory_space<hbm>> -> memref<32xi32, #tpu.memory_space<hbm>>
      tpu.wait_dma2 semaphore(%run_scoped3A : memref<!tpu.dma_semaphore, #tpu.memory_space<semaphore_mem>>) src(%dma_wait3A_12 : memref<32xi32, #tpu.memory_space<hbm>>) dst(%arg5 : memref<32xi32, #tpu.memory_space<vmem>>)
      tpu.yield
    }) : () -> ()
    "tpu.region"() ({
      %run_scoped3A = tpu.sem_alloc : memref<!tpu.dma_semaphore, #tpu.memory_space<semaphore_mem>>
      %dma_start3A = arith.constant 0 : i32
      %dma_start3A_11 = arith.constant 0 : i32
      %dma_start3A_12 = tpu.memref_slice %arg2[%dma_start3A, %dma_start3A_11] : memref<5128x1024xf32, #tpu.memory_space<hbm>> -> memref<5128x1024xf32, #tpu.memory_space<hbm>>
      tpu.enqueue_indirect_dma source(%dma_start3A_12 : memref<5128x1024xf32, #tpu.memory_space<hbm>>) target(%arg6 : memref<32x1024xf32, #tpu.memory_space<vmem>>) offsets(%arg5 : memref<32xi32, #tpu.memory_space<vmem>>) semaphore(%run_scoped3A : memref<!tpu.dma_semaphore, #tpu.memory_space<semaphore_mem>>)
      %dma_wait3A = arith.constant 0 : i32
      %dma_wait3A_13 = arith.constant 0 : i32
      %dma_wait3A_14 = tpu.memref_slice %arg2[%dma_wait3A, %dma_wait3A_13] : memref<5128x1024xf32, #tpu.memory_space<hbm>> -> memref<5128x1024xf32, #tpu.memory_space<hbm>>
      tpu.wait_indirect_dma semaphore(%run_scoped3A : memref<!tpu.dma_semaphore, #tpu.memory_space<semaphore_mem>>) src(%dma_wait3A_14 : memref<5128x1024xf32, #tpu.memory_space<hbm>>) dst(%arg6 : memref<32x1024xf32, #tpu.memory_space<vmem>>)
      tpu.yield
    }) : () -> ()
    "tpu.region"() ({
      %run_scoped3A = tpu.sem_alloc : memref<!tpu.dma_semaphore, #tpu.memory_space<semaphore_mem>>
      %dma_start3A = arith.constant 0 : i32
      %dma_start3A_11 = tpu.memref_slice %arg4[%add3A_10, %dma_start3A] : memref<4096x1024xf32, #tpu.memory_space<hbm>> -> memref<32x1024xf32, #tpu.memory_space<hbm>>
      %dma_start3A_12 = arith.constant 0 : i32
      %dma_start3A_13 = tpu.memref_slice %arg4[%add3A_10, %dma_start3A_12] : memref<4096x1024xf32, #tpu.memory_space<hbm>> -> memref<32x1024xf32, #tpu.memory_space<hbm>>
      tpu.enqueue_dma source(%arg6 : memref<32x1024xf32, #tpu.memory_space<vmem>>) target(%dma_start3A_13 : memref<32x1024xf32, #tpu.memory_space<hbm>>) target_semaphore(%run_scoped3A : memref<!tpu.dma_semaphore, #tpu.memory_space<semaphore_mem>>)
      %dma_wait3A = arith.constant 0 : i32
      %dma_wait3A_14 = tpu.memref_slice %arg4[%add3A_10, %dma_wait3A] : memref<4096x1024xf32, #tpu.memory_space<hbm>> -> memref<32x1024xf32, #tpu.memory_space<hbm>>
      %dma_wait3A_15 = arith.constant 0 : i32
      %dma_wait3A_16 = tpu.memref_slice %arg4[%add3A_10, %dma_wait3A_15] : memref<4096x1024xf32, #tpu.memory_space<hbm>> -> memref<32x1024xf32, #tpu.memory_space<hbm>>
      tpu.wait_dma2 semaphore(%run_scoped3A : memref<!tpu.dma_semaphore, #tpu.memory_space<semaphore_mem>>) src(%arg6 : memref<32x1024xf32, #tpu.memory_space<vmem>>) dst(%dma_wait3A_16 : memref<32x1024xf32, #tpu.memory_space<hbm>>)
      tpu.yield
    }) : () -> ()
    return
  }
}

module attributes {stable_mosaic.version = 14 : i64} {
  func.func @_routing_body(%arg0: i32, %arg1: memref<256x1024xf32, #tpu.memory_space<vmem>>, %arg2: memref<1024x128xf32, #tpu.memory_space<vmem>>, %arg3: memref<1x128xf32, #tpu.memory_space<vmem>>, %arg4: memref<256x1xi32, #tpu.memory_space<vmem>>, %arg5: memref<256x1xf32, #tpu.memory_space<vmem>>, %arg6: memref<1x128xf32, #tpu.memory_space<vmem>>) attributes {dimension_semantics = [#tpu.dimension_semantics<arbitrary>], iteration_bounds = array<i64: 16>, scalar_prefetch = 0 : i64, scratch_operands = 1 : i64, tpu.core_type = #tpu.core_type<tc>, window_params = [{transform_indices = @transform_0, window_bounds = array<i64: 256, 1024>}, {pipeline_mode = #tpu.pipeline_mode<synchronous>, transform_indices = @transform_1, window_bounds = array<i64: 1024, 128>}, {pipeline_mode = #tpu.pipeline_mode<synchronous>, transform_indices = @transform_2, window_bounds = array<i64: 1, 128>}, {transform_indices = @transform_3, window_bounds = array<i64: 256, 1>}, {transform_indices = @transform_4, window_bounds = array<i64: 256, 1>}]} {
    %eq3A = arith.constant 0 : i32
    %eq3A_0 = arith.cmpi eq, %arg0, %eq3A : i32
    %convert_element_type3A = arith.extui %eq3A_0 : i1 to i32
    %cond3A = arith.constant 0 : i32
    %cond3A_1 = arith.cmpi ne, %convert_element_type3A, %cond3A : i32
    scf.if %cond3A_1 {
      %broadcast_in_dim3A_80 = arith.constant 0.000000e+00 : f32
      %broadcast_in_dim3A_81 = vector.broadcast %broadcast_in_dim3A_80 : f32 to vector<1x128xf32>
      %swap3A_82 = arith.constant 0 : index
      %swap3A_83 = arith.constant 0 : index
      %swap3A_84 = vector.load %arg6[%swap3A_82, %swap3A_83] : memref<1x128xf32, #tpu.memory_space<vmem>>, vector<1x128xf32>
      tpu.vector_store %arg6[%swap3A_82, %swap3A_83], %broadcast_in_dim3A_81 {strides = array<i32>} : memref<1x128xf32, #tpu.memory_space<vmem>>, vector<1x128xf32>,
    } else {
    }
    %get3A = arith.constant 0 : index
    %get3A_2 = arith.constant 0 : index
    %get3A_3 = vector.load %arg1[%get3A, %get3A_2] : memref<256x1024xf32, #tpu.memory_space<vmem>>, vector<256x1024xf32>
    %get3A_4 = arith.constant 0 : index
    %get3A_5 = arith.constant 0 : index
    %get3A_6 = vector.load %arg2[%get3A_4, %get3A_5] : memref<1024x128xf32, #tpu.memory_space<vmem>>, vector<1024x128xf32>
    %dot_general3A = arith.constant dense<0.000000e+00> : vector<256x128xf32>
    %dot_general3A_7 = tpu.matmul %get3A_3, %get3A_6, %dot_general3A {dimension_numbers = #tpu.dot_dimension_numbers<[1], [0], [0], [1], [0, 0, 1, 1], [], []>, transpose_lhs_hint = false} : vector<256x1024xf32>, vector<1024x128xf32>, vector<256x128xf32> -> vector<256x128xf32>
    %get3A_8 = arith.constant 0 : index
    %get3A_9 = arith.constant 0 : index
    %get3A_10 = vector.load %arg3[%get3A_8, %get3A_9] : memref<1x128xf32, #tpu.memory_space<vmem>>, vector<1x128xf32>
    %add3A = vector.broadcast %get3A_10 : vector<1x128xf32> to vector<256x128xf32>
    %add3A_11 = arith.addf %dot_general3A_7, %add3A : vector<256x128xf32>
    %iota3A = tpu.iota {dimensions = array<i32: 1>} : vector<256x128xi32>
    %lt3A = arith.constant 8 : i32
    %lt3A_12 = vector.broadcast %lt3A : i32 to vector<256x128xi32>
    %lt3A_13 = arith.cmpi slt, %iota3A, %lt3A_12 : vector<256x128xi32>
    %jit3A = arith.constant -1.000000e+30 : f32
    %broadcast_in_dim3A = vector.broadcast %jit3A : f32 to vector<256x128xf32>
    %select_n3A = arith.select %lt3A_13, %add3A_11, %broadcast_in_dim3A : vector<256x128xi1>, vector<256x128xf32>
    %reduce_max3A = arith.constant dense<0xFF800000> : vector<256xf32>
    %reduce_max3A_14 = vector.multi_reduction <maximumf>, %select_n3A, %reduce_max3A [1] : vector<256x128xf32> to vector<256xf32>
    %broadcast_in_dim3A_15 = vector.shape_cast %reduce_max3A_14 : vector<256xf32> to vector<256x1xf32>
    %ge3A = vector.broadcast %broadcast_in_dim3A_15 : vector<256x1xf32> to vector<256x128xf32>
    %ge3A_16 = arith.cmpf oge, %select_n3A, %ge3A : vector<256x128xf32>
    %jit3A_17 = arith.constant 128 : i32
    %broadcast_in_dim3A_18 = vector.broadcast %jit3A_17 : i32 to vector<256x128xi32>
    %select_n3A_19 = arith.select %ge3A_16, %iota3A, %broadcast_in_dim3A_18 : vector<256x128xi1>, vector<256x128xi32>
    %reduce_min3A = arith.constant dense<2147483647> : vector<256xi32>
    %reduce_min3A_20 = vector.multi_reduction <minsi>, %select_n3A_19, %reduce_min3A [1] : vector<256x128xi32> to vector<256xi32>
    %broadcast_in_dim3A_21 = vector.shape_cast %reduce_min3A_20 : vector<256xi32> to vector<256x1xi32>
    %lt3A_22 = arith.constant 8 : i32
    %lt3A_23 = vector.broadcast %lt3A_22 : i32 to vector<256x128xi32>
    %lt3A_24 = arith.cmpi slt, %iota3A, %lt3A_23 : vector<256x128xi32>
    %sub3A = vector.broadcast %broadcast_in_dim3A_15 : vector<256x1xf32> to vector<256x128xf32>
    %sub3A_25 = arith.subf %select_n3A, %sub3A : vector<256x128xf32>
    %exp3A = math.exp %sub3A_25 : vector<256x128xf32>
    %jit3A_26 = arith.constant 0.000000e+00 : f32
    %broadcast_in_dim3A_27 = vector.broadcast %jit3A_26 : f32 to vector<256x128xf32>
    %select_n3A_28 = arith.select %lt3A_24, %exp3A, %broadcast_in_dim3A_27 : vector<256x128xi1>, vector<256x128xf32>
    %reduce_sum3A = arith.constant dense<0.000000e+00> : vector<256xf32>
    %reduce_sum3A_29 = vector.multi_reduction <add>, %select_n3A_28, %reduce_sum3A [1] : vector<256x128xf32> to vector<256xf32>
    %broadcast_in_dim3A_30 = vector.shape_cast %reduce_sum3A_29 : vector<256xf32> to vector<256x1xf32>
    %div3A = arith.constant 1.000000e+00 : f32
    %div3A_31 = vector.broadcast %div3A : f32 to vector<256x1xf32>
    %div3A_32 = arith.divf %div3A_31, %broadcast_in_dim3A_30 : vector<256x1xf32>
    %eq3A_33 = vector.broadcast %broadcast_in_dim3A_21 : vector<256x1xi32> to vector<256x128xi32>
    %eq3A_34 = arith.cmpi eq, %iota3A, %eq3A_33 : vector<256x128xi32>
    %convert_element_type3A_35 = arith.extui %eq3A_34 : vector<256x128xi1> to vector<256x128xi32>
    %convert_element_type3A_36 = arith.sitofp %convert_element_type3A_35 : vector<256x128xi32> to vector<256x128xf32>
    %iota3A_37 = tpu.iota {dimensions = array<i32: 0>} : vector<256x256xi32>
    %iota3A_38 = tpu.iota {dimensions = array<i32: 1>} : vector<256x256xi32>
    %le3A = arith.cmpi sle, %iota3A_38, %iota3A_37 : vector<256x256xi32>
    %convert_element_type3A_39 = arith.extui %le3A : vector<256x256xi1> to vector<256x256xi32>
    %convert_element_type3A_40 = arith.sitofp %convert_element_type3A_39 : vector<256x256xi32> to vector<256x256xf32>
    %dot_general3A_41 = arith.constant dense<0.000000e+00> : vector<256x128xf32>
    %dot_general3A_42 = tpu.matmul %convert_element_type3A_40, %convert_element_type3A_36, %dot_general3A_41 {dimension_numbers = #tpu.dot_dimension_numbers<[1], [0], [0], [1], [0, 0, 1, 1], [], []>, transpose_lhs_hint = false} : vector<256x256xf32>, vector<256x128xf32>, vector<256x128xf32> -> vector<256x128xf32>
    %get3A_43 = arith.constant 0 : index
    %get3A_44 = arith.constant 0 : index
    %get3A_45 = vector.load %arg6[%get3A_43, %get3A_44] : memref<1x128xf32, #tpu.memory_space<vmem>>, vector<1x128xf32>
    %add3A_46 = vector.broadcast %get3A_45 : vector<1x128xf32> to vector<256x128xf32>
    %add3A_47 = arith.addf %dot_general3A_42, %add3A_46 : vector<256x128xf32>
    %mul3A = arith.mulf %add3A_47, %convert_element_type3A_36 : vector<256x128xf32>
    %reduce_sum3A_48 = arith.constant dense<0.000000e+00> : vector<256xf32>
    %reduce_sum3A_49 = vector.multi_reduction <add>, %mul3A, %reduce_sum3A_48 [1] : vector<256x128xf32> to vector<256xf32>
    %broadcast_in_dim3A_50 = vector.shape_cast %reduce_sum3A_49 : vector<256xf32> to vector<256x1xf32>
    %reduce_sum3A_51 = arith.constant dense<0.000000e+00> : vector<128xf32>
    %reduce_sum3A_52 = vector.multi_reduction <add>, %convert_element_type3A_36, %reduce_sum3A_51 [0] : vector<256x128xf32> to vector<128xf32>
    %broadcast_in_dim3A_53 = vector.shape_cast %reduce_sum3A_52 : vector<128xf32> to vector<1x128xf32>
    %add3A_54 = arith.addf %get3A_45, %broadcast_in_dim3A_53 : vector<1x128xf32>
    %swap3A = arith.constant 0 : index
    %swap3A_55 = arith.constant 0 : index
    %swap3A_56 = vector.load %arg6[%swap3A, %swap3A_55] : memref<1x128xf32, #tpu.memory_space<vmem>>, vector<1x128xf32>
    tpu.vector_store %arg6[%swap3A, %swap3A_55], %add3A_54 {strides = array<i32>} : memref<1x128xf32, #tpu.memory_space<vmem>>, vector<1x128xf32>,
    %le3A_57 = arith.constant 6.400000e+02 : f32
    %le3A_58 = vector.broadcast %le3A_57 : f32 to vector<256x1xf32>
    %le3A_59 = arith.cmpf ole, %broadcast_in_dim3A_50, %le3A_58 : vector<256x1xf32>
    %mul3A_60 = arith.constant 640 : i32
    %mul3A_61 = vector.broadcast %mul3A_60 : i32 to vector<256x1xi32>
    %mul3A_62 = arith.muli %broadcast_in_dim3A_21, %mul3A_61 : vector<256x1xi32>
    %convert_element_type3A_63 = arith.fptosi %broadcast_in_dim3A_50 : vector<256x1xf32> to vector<256x1xi32>
    %add3A_64 = arith.addi %mul3A_62, %convert_element_type3A_63 : vector<256x1xi32>
    %sub3A_65 = arith.constant 1 : i32
    %sub3A_66 = vector.broadcast %sub3A_65 : i32 to vector<256x1xi32>
    %sub3A_67 = arith.subi %add3A_64, %sub3A_66 : vector<256x1xi32>
    %jit3A_68 = arith.constant 5120 : i32
    %broadcast_in_dim3A_69 = vector.broadcast %jit3A_68 : i32 to vector<256x1xi32>
    %select_n3A_70 = arith.select %le3A_59, %sub3A_67, %broadcast_in_dim3A_69 : vector<256x1xi1>, vector<256x1xi32>
    %swap3A_71 = arith.constant 0 : index
    %swap3A_72 = arith.constant 0 : index
    %swap3A_73 = vector.load %arg4[%swap3A_71, %swap3A_72] : memref<256x1xi32, #tpu.memory_space<vmem>>, vector<256x1xi32>
    tpu.vector_store %arg4[%swap3A_71, %swap3A_72], %select_n3A_70 {strides = array<i32>} : memref<256x1xi32, #tpu.memory_space<vmem>>, vector<256x1xi32>,
    %jit3A_74 = arith.constant 0.000000e+00 : f32
    %broadcast_in_dim3A_75 = vector.broadcast %jit3A_74 : f32 to vector<256x1xf32>
    %select_n3A_76 = arith.select %le3A_59, %div3A_32, %broadcast_in_dim3A_75 : vector<256x1xi1>, vector<256x1xf32>
    %swap3A_77 = arith.constant 0 : index
    %swap3A_78 = arith.constant 0 : index
    %swap3A_79 = vector.load %arg5[%swap3A_77, %swap3A_78] : memref<256x1xf32, #tpu.memory_space<vmem>>, vector<256x1xf32>
    tpu.vector_store %arg5[%swap3A_77, %swap3A_78], %select_n3A_76 {strides = array<i32>} : memref<256x1xf32, #tpu.memory_space<vmem>>, vector<256x1xf32>,
    return
  }
  func.func @transform_0(%arg0: i32) -> (i32, i32) {
    %c0_i32 = arith.constant 0 : i32
    %c0_i32_0 = arith.constant 0 : i32
    return %arg0, %c0_i32 : i32, i32
  }
  func.func @transform_1(%arg0: i32) -> (i32, i32) {
    %c0_i32 = arith.constant 0 : i32
    %c0_i32_0 = arith.constant 0 : i32
    %c0_i32_1 = arith.constant 0 : i32
    return %c0_i32, %c0_i32_0 : i32, i32
  }
  func.func @transform_2(%arg0: i32) -> (i32, i32) {
    %c0_i32 = arith.constant 0 : i32
    %c0_i32_0 = arith.constant 0 : i32
    %c0_i32_1 = arith.constant 0 : i32
    return %c0_i32, %c0_i32_0 : i32, i32
  }
  func.func @transform_3(%arg0: i32) -> (i32, i32) {
    %c0_i32 = arith.constant 0 : i32
    %c0_i32_0 = arith.constant 0 : i32
    return %arg0, %c0_i32 : i32, i32
  }
  func.func @transform_4(%arg0: i32) -> (i32, i32) {
    %c0_i32 = arith.constant 0 : i32
    %c0_i32_0 = arith.constant 0 : i32
    return %arg0, %c0_i32 : i32, i32
  }
}

module attributes {stable_mosaic.version = 14 : i64} {
  func.func @_ffn_body(%arg0: i32, %arg1: i32, %arg2: memref<640x1024xf32, #tpu.memory_space<vmem>>, %arg3: memref<1x1024x512xf32, #tpu.memory_space<vmem>>, %arg4: memref<1x1024x512xf32, #tpu.memory_space<vmem>>, %arg5: memref<1x512x1024xf32, #tpu.memory_space<vmem>>, %arg6: memref<640x1024xf32, #tpu.memory_space<vmem>>) attributes {dimension_semantics = [#tpu.dimension_semantics<arbitrary>, #tpu.dimension_semantics<arbitrary>], iteration_bounds = array<i64: 8, 4>, scalar_prefetch = 0 : i64, scratch_operands = 0 : i64, tpu.core_type = #tpu.core_type<tc>, window_params = [{transform_indices = @transform_0, window_bounds = array<i64: 640, 1024>}, {transform_indices = @transform_1, window_bounds = array<i64: 1, 1024, 512>}, {transform_indices = @transform_2, window_bounds = array<i64: 1, 1024, 512>}, {transform_indices = @transform_3, window_bounds = array<i64: 1, 512, 1024>}, {transform_indices = @transform_4, window_bounds = array<i64: 640, 1024>}]} {
    %get3A = arith.constant 0 : index
    %get3A_0 = arith.constant 0 : index
    %get3A_1 = vector.load %arg2[%get3A, %get3A_0] : memref<640x1024xf32, #tpu.memory_space<vmem>>, vector<640x1024xf32>
    %get3A_2 = arith.constant 0 : index
    %get3A_3 = arith.constant 0 : index
    %get3A_4 = arith.constant 0 : index
    %get3A_5 = vector.load %arg3[%get3A_2, %get3A_3, %get3A_4] : memref<1x1024x512xf32, #tpu.memory_space<vmem>>, vector<1x1024x512xf32>
    %get3A_6 = vector.shape_cast %get3A_5 : vector<1x1024x512xf32> to vector<1024x512xf32>
    %dot_general3A = arith.constant dense<0.000000e+00> : vector<640x512xf32>
    %dot_general3A_7 = tpu.matmul %get3A_1, %get3A_6, %dot_general3A {dimension_numbers = #tpu.dot_dimension_numbers<[1], [0], [0], [1], [0, 0, 1, 1], [], []>, transpose_lhs_hint = false} : vector<640x1024xf32>, vector<1024x512xf32>, vector<640x512xf32> -> vector<640x512xf32>
    %get3A_8 = arith.constant 0 : index
    %get3A_9 = arith.constant 0 : index
    %get3A_10 = arith.constant 0 : index
    %get3A_11 = vector.load %arg4[%get3A_8, %get3A_9, %get3A_10] : memref<1x1024x512xf32, #tpu.memory_space<vmem>>, vector<1x1024x512xf32>
    %get3A_12 = vector.shape_cast %get3A_11 : vector<1x1024x512xf32> to vector<1024x512xf32>
    %dot_general3A_13 = arith.constant dense<0.000000e+00> : vector<640x512xf32>
    %dot_general3A_14 = tpu.matmul %get3A_1, %get3A_12, %dot_general3A_13 {dimension_numbers = #tpu.dot_dimension_numbers<[1], [0], [0], [1], [0, 0, 1, 1], [], []>, transpose_lhs_hint = false} : vector<640x1024xf32>, vector<1024x512xf32>, vector<640x512xf32> -> vector<640x512xf32>
    %logistic3A = arith.negf %dot_general3A_7 : vector<640x512xf32>
    %logistic3A_15 = math.exp %logistic3A : vector<640x512xf32>
    %logistic3A_16 = arith.constant 1.000000e+00 : f32
    %logistic3A_17 = vector.broadcast %logistic3A_16 : f32 to vector<640x512xf32>
    %logistic3A_18 = arith.addf %logistic3A_17, %logistic3A_15 : vector<640x512xf32>
    %logistic3A_19 = arith.divf %logistic3A_17, %logistic3A_18 : vector<640x512xf32>
    %mul3A = arith.mulf %dot_general3A_7, %logistic3A_19 : vector<640x512xf32>
    %mul3A_20 = arith.mulf %mul3A, %dot_general3A_14 : vector<640x512xf32>
    %get3A_21 = arith.constant 0 : index
    %get3A_22 = arith.constant 0 : index
    %get3A_23 = arith.constant 0 : index
    %get3A_24 = vector.load %arg5[%get3A_21, %get3A_22, %get3A_23] : memref<1x512x1024xf32, #tpu.memory_space<vmem>>, vector<1x512x1024xf32>
    %get3A_25 = vector.shape_cast %get3A_24 : vector<1x512x1024xf32> to vector<512x1024xf32>
    %dot_general3A_26 = arith.constant dense<0.000000e+00> : vector<640x1024xf32>
    %dot_general3A_27 = tpu.matmul %mul3A_20, %get3A_25, %dot_general3A_26 {dimension_numbers = #tpu.dot_dimension_numbers<[1], [0], [0], [1], [0, 0, 1, 1], [], []>, transpose_lhs_hint = false} : vector<640x512xf32>, vector<512x1024xf32>, vector<640x1024xf32> -> vector<640x1024xf32>
    %eq3A = arith.constant 0 : i32
    %eq3A_28 = arith.cmpi eq, %arg1, %eq3A : i32
    %convert_element_type3A = arith.extui %eq3A_28 : i1 to i32
    %cond3A = arith.constant 0 : i32
    %cond3A_29 = arith.cmpi ne, %convert_element_type3A, %cond3A : i32
    scf.if %cond3A_29 {
      %swap3A = arith.constant 0 : index
      %swap3A_34 = arith.constant 0 : index
      %swap3A_35 = vector.load %arg6[%swap3A, %swap3A_34] : memref<640x1024xf32, #tpu.memory_space<vmem>>, vector<640x1024xf32>
      tpu.vector_store %arg6[%swap3A, %swap3A_34], %dot_general3A_27 {strides = array<i32>} : memref<640x1024xf32, #tpu.memory_space<vmem>>, vector<640x1024xf32>,
    } else {
    }
    %ne3A = arith.constant 0 : i32
    %ne3A_30 = arith.cmpi ne, %arg1, %ne3A : i32
    %convert_element_type3A_31 = arith.extui %ne3A_30 : i1 to i32
    %cond3A_32 = arith.constant 0 : i32
    %cond3A_33 = arith.cmpi ne, %convert_element_type3A_31, %cond3A_32 : i32
    scf.if %cond3A_33 {
      %get3A_34 = arith.constant 0 : index
      %get3A_35 = arith.constant 0 : index
      %get3A_36 = vector.load %arg6[%get3A_34, %get3A_35] : memref<640x1024xf32, #tpu.memory_space<vmem>>, vector<640x1024xf32>
      %add3A = arith.addf %get3A_36, %dot_general3A_27 : vector<640x1024xf32>
      %swap3A = arith.constant 0 : index
      %swap3A_37 = arith.constant 0 : index
      %swap3A_38 = vector.load %arg6[%swap3A, %swap3A_37] : memref<640x1024xf32, #tpu.memory_space<vmem>>, vector<640x1024xf32>
      tpu.vector_store %arg6[%swap3A, %swap3A_37], %add3A {strides = array<i32>} : memref<640x1024xf32, #tpu.memory_space<vmem>>, vector<640x1024xf32>,
    } else {
    }
    return
  }
  func.func @transform_0(%arg0: i32, %arg1: i32) -> (i32, i32) {
    %c0_i32 = arith.constant 0 : i32
    %c0_i32_0 = arith.constant 0 : i32
    return %arg0, %c0_i32 : i32, i32
  }
  func.func @transform_1(%arg0: i32, %arg1: i32) -> (i32, i32, i32) {
    %c0_i32 = arith.constant 0 : i32
    %c0_i32_0 = arith.constant 0 : i32
    return %arg0, %c0_i32, %arg1 : i32, i32, i32
  }
  func.func @transform_2(%arg0: i32, %arg1: i32) -> (i32, i32, i32) {
    %c0_i32 = arith.constant 0 : i32
    %c0_i32_0 = arith.constant 0 : i32
    return %arg0, %c0_i32, %arg1 : i32, i32, i32
  }
  func.func @transform_3(%arg0: i32, %arg1: i32) -> (i32, i32, i32) {
    %c0_i32 = arith.constant 0 : i32
    %c0_i32_0 = arith.constant 0 : i32
    return %arg0, %arg1, %c0_i32 : i32, i32, i32
  }
  func.func @transform_4(%arg0: i32, %arg1: i32) -> (i32, i32) {
    %c0_i32 = arith.constant 0 : i32
    %c0_i32_0 = arith.constant 0 : i32
    return %arg0, %c0_i32 : i32, i32
  }
}

module attributes {stable_mosaic.version = 14 : i64} {
  func.func @_scale_body(%arg0: i32, %arg1: memref<512x1024xf32, #tpu.memory_space<vmem>>, %arg2: memref<512x1xf32, #tpu.memory_space<vmem>>, %arg3: memref<512x1024xf32, #tpu.memory_space<vmem>>) attributes {dimension_semantics = [#tpu.dimension_semantics<arbitrary>], iteration_bounds = array<i64: 8>, scalar_prefetch = 0 : i64, scratch_operands = 0 : i64, tpu.core_type = #tpu.core_type<tc>, window_params = [{transform_indices = @transform_0, window_bounds = array<i64: 512, 1024>}, {transform_indices = @transform_1, window_bounds = array<i64: 512, 1>}, {transform_indices = @transform_2, window_bounds = array<i64: 512, 1024>}]} {
    %get3A = arith.constant 0 : index
    %get3A_0 = arith.constant 0 : index
    %get3A_1 = vector.load %arg2[%get3A, %get3A_0] : memref<512x1xf32, #tpu.memory_space<vmem>>, vector<512x1xf32>
    %gt3A = arith.constant 0.000000e+00 : f32
    %gt3A_2 = vector.broadcast %gt3A : f32 to vector<512x1xf32>
    %gt3A_3 = arith.cmpf ogt, %get3A_1, %gt3A_2 : vector<512x1xf32>
    %get3A_4 = arith.constant 0 : index
    %get3A_5 = arith.constant 0 : index
    %get3A_6 = vector.load %arg1[%get3A_4, %get3A_5] : memref<512x1024xf32, #tpu.memory_space<vmem>>, vector<512x1024xf32>
    %mul3A = vector.broadcast %get3A_1 : vector<512x1xf32> to vector<512x1024xf32>
    %mul3A_7 = arith.mulf %mul3A, %get3A_6 : vector<512x1024xf32>
    %jit3A = arith.constant 0.000000e+00 : f32
    %broadcast_in_dim3A = vector.shape_cast %gt3A_3 : vector<512x1xi1> to vector<512x1xi1>
    %broadcast_in_dim3A_8 = vector.broadcast %broadcast_in_dim3A : vector<512x1xi1> to vector<512x1024xi1>
    %broadcast_in_dim3A_9 = vector.broadcast %jit3A : f32 to vector<512x1024xf32>
    %select_n3A = arith.select %broadcast_in_dim3A_8, %mul3A_7, %broadcast_in_dim3A_9 : vector<512x1024xi1>, vector<512x1024xf32>
    %swap3A = arith.constant 0 : index
    %swap3A_10 = arith.constant 0 : index
    %swap3A_11 = vector.load %arg3[%swap3A, %swap3A_10] : memref<512x1024xf32, #tpu.memory_space<vmem>>, vector<512x1024xf32>
    tpu.vector_store %arg3[%swap3A, %swap3A_10], %select_n3A {strides = array<i32>} : memref<512x1024xf32, #tpu.memory_space<vmem>>, vector<512x1024xf32>,
    return
  }
  func.func @transform_0(%arg0: i32) -> (i32, i32) {
    %c0_i32 = arith.constant 0 : i32
    %c0_i32_0 = arith.constant 0 : i32
    return %arg0, %c0_i32 : i32, i32
  }
  func.func @transform_1(%arg0: i32) -> (i32, i32) {
    %c0_i32 = arith.constant 0 : i32
    %c0_i32_0 = arith.constant 0 : i32
    return %arg0, %c0_i32 : i32, i32
  }
  func.func @transform_2(%arg0: i32) -> (i32, i32) {
    %c0_i32 = arith.constant 0 : i32
    %c0_i32_0 = arith.constant 0 : i32
    return %arg0, %c0_i32 : i32, i32
  }
}

</mosaic_0001>

<sc_bundles>
// kernel: kernel.10.cloned.1.call-start
scs
__scs_entry_jumppad:
0x0: {  	(pc) =	sbr.rel $0x88, $3  }
0x1: {  	(tag) =	ssettag $0x0;
	lr =	simm.s32 $0x1  }
0x2: {  	[smem:$0x3F9B] =	sst lr;
	_ =	strace $0xD0000000  }
0x3: {  	_ = 	snop  }
0x4: {  	_ = 	snop  }
0x5: {  	_ = 	snop  }
0x6: {  	_ = 	snop  }
0x7: {  	_ = 	snop  }
__scs_overlays_trampoline_lowered:
0x8: {  	[smem:$0x3FAA] =	sst s0  }
0x9: {  	[smem:$0x3FAB] =	sst s1  }
0xa: {  	[smem:$0x3FAC] =	sst s2  }
0xb: {  	[smem:$0x3FAD] =	sst s3  }
0xc: {  	[smem:$0x3FAE] =	sst s4  }
0xd: {  	[smem:$0x3FAF] =	sst s5  }
0xe: {  	[smem:$0x3FB0] =	sst s6  }
0xf: {  	[smem:$0x3FB1] =	sst s7  }
0x10: {  	[smem:$0x3FB2] =	sst s8  }
0x11: {  	[smem:$0x3FB3] =	sst s9;
	s0 =	simm.s32 @!p0 $0x0  }
0x12: {  	s1 =	sld [smem:$0x3F99];
	s0 =	simm.s32 @p0 $0x1  }
0x13: {  	[smem:$0x3FB4] =	sst s0;
	s0 =	simm.s32 @!p1 $0x0  }
0x14: {  	s2 =	sld [smem:$0x3F98];
	s0 =	simm.s32 @p1 $0x1  }
0x15: {  	[smem:$0x3FB5] =	sst s0;
	s0 =	simm.s32 @!p2 $0x0  }
0x16: {  	s3 =	sld [smem:$0x3FDB];
	s0 =	simm.s32 @p2 $0x1  }
0x17: {  	s4 =	simm.s32 $0x1BF5;
	[smem:$0x3FB7] =	sst s0  }
0x18: {  	s0 =	sld [smem:$0x3F9A];
	_ =	swait.ge [sflag:s4], $0x0  }
0x19: {  	s7 =	sld [smem:$0x3F9B]  }
0x1a: {  	s8 =	sadd.s32 $0xFFFFE003, lr  }
0x1b: {  	s9 =	sadd.s32 $0xFFFFFEF7, lr;
	s5 =	simm.s32 $0xFFFFFFFF;
	p2 =	slt.u32 s8, $0xFFFFF086  }
0x1c: {  	p1 =	slt.u32 s9, $0xF7A;
	s5 =	simm.s32 @!p2 $0x0  }
0x1d: {  	s5 =	simm.s32 @p1 $0x1;
	p0 =	seq.s32 s7, s2  }
0x1e: {  	s7 =	smul.u32 @!p0 $0xF7A, s2;
	p2 =	seq.s32 @!p0 s5, $0x0  }
0x1f: {  	s9 =	smul.u32 $0xF7A, s1;
	s8 =	simm.s32 @!p0 $0x1BF5;
	p2 =	por !p2, p0  }
0x20: {  	[sflag:s8] =	ssyncset.s32 @!p0 $0xFFFFF086;
	s6 =	sadd.s32 @!p0 s3, s7;
	s7 =	simm.s32 @!p0 $0x108  }
0x21: {  	s3 =	sadd.s32 s3, s9;
	s6 =	sadd.s32 @!p0 $0x88, s6;
	s7 =	simm.s32 @p2 $0x1082  }
0x22: {  	[simem:s7], [sflag:s8] =	dma.local @!p0 [hbm:s6], $0xF7A  }
0x23: {  	s9 =	sor.u32 $0xD0000000, s2;
	s6 =	simm.s32 $0x108;
	_ =	swait.ge @!p0 [sflag:s8], $0x0  }
0x24: {  	s3 =	sadd.s32 $0x88, s3;
	s6 =	simm.s32 @!p1 $0x1082;
	[sflag:s4] =	ssyncset.s32 $0xFFFFF086  }
0x25: {  	[simem:s6], [sflag:s4] =	dma.local [hbm:s3], $0xF7A  }
0x26: {  	[smem:$0x3F9B] =	sst s1;
	(tag) =	ssettag s2;
	_ =	strace s9  }
0x27: {  	s1 =	sld [smem:$0x3FAB]  }
0x28: {  	s2 =	sld [smem:$0x3FAC]  }
0x29: {  	s4 =	sld [smem:$0x3FAE]  }
0x2a: {  	p0 =	seq.s32 s5, $0x0;
	s5 =	sld [smem:$0x3FAF]  }
0x2b: {  	s6 =	sld [smem:$0x3FB0]  }
0x2c: {  	s7 =	sld [smem:$0x3FB1]  }
0x2d: {  	s3 =	simm.s32 $0x108;
	s8 =	sld [smem:$0x3FB2]  }
0x2e: {  	s3 =	simm.s32 @!p0 $0x1082;
	s9 =	sld [smem:$0x3FB3]  }
0x2f: {  	lr =	sadd.s32 s0, s3;
	s0 =	sld [smem:$0x3FAA]  }
0x30: {  	s3 =	sld [smem:$0x3FAD]  }
0x31: {  	[smem:$0x3FB6] =	sst s10  }
0x32: {  	s10 =	sld [smem:$0x3FB4];
	_ =	sdelay $0x3  }
0x33: {  	p0 =	seq.s32 s10, $0x1;
	s10 =	sld [smem:$0x3FB6];
	_ =	sdelay $0x3  }
0x34: {  	[smem:$0x3FB6] =	sst s10  }
0x35: {  	s10 =	sld [smem:$0x3FB5];
	_ =	sdelay $0x3  }
0x36: {  	p1 =	seq.s32 s10, $0x1;
	s10 =	sld [smem:$0x3FB6];
	_ =	sdelay $0x3  }
0x37: {  	[smem:$0x3FB6] =	sst s10  }
0x38: {  	s10 =	sld [smem:$0x3FB7]  }
0x39: {  	_ = 	snop;
	(pc) =	sbr.ind lr, $3  }
0x3a: {  	_ = 	snop  }
0x3b: {  	_ = 	snop  }
0x3c: {  	p2 =	seq.s32 s10, $0x1;
	s10 =	sld [smem:$0x3FB6]  }
0x3d: {  	_ =	shalt  }
0x3e: {  	_ =	shalt  }
0x3f: {  	_ =	shalt  }
0x40: {  	_ =	shalt  }
0x41: {  	_ =	shalt  }
0x42: {  	_ =	shalt  }
0x43: {  	_ =	shalt  }
0x44: {  	_ =	shalt  }
0x45: {  	_ =	shalt  }
0x46: {  	_ =	shalt  }
0x47: {  	_ =	shalt  }
0x48: {  	_ =	shalt  }
0x49: {  	_ =	shalt  }
0x4a: {  	_ =	shalt  }
0x4b: {  	_ =	shalt  }
0x4c: {  	_ =	shalt  }
0x4d: {  	_ =	shalt  }
0x4e: {  	_ =	shalt  }
0x4f: {  	_ =	shalt  }
0x50: {  	_ =	shalt  }
0x51: {  	_ =	shalt  }
0x52: {  	_ =	shalt  }
0x53: {  	_ =	shalt  }
0x54: {  	_ =	shalt  }
0x55: {  	_ =	shalt  }
0x56: {  	_ =	shalt  }
0x57: {  	_ =	shalt  }
0x58: {  	_ =	shalt  }
0x59: {  	_ =	shalt  }
0x5a: {  	_ =	shalt  }
0x5b: {  	_ =	shalt  }
0x5c: {  	_ =	shalt  }
0x5d: {  	_ =	shalt  }
0x5e: {  	_ =	shalt  }
0x5f: {  	_ =	shalt  }
0x60: {  	_ =	shalt  }
0x61: {  	_ =	shalt  }
0x62: {  	_ =	shalt  }
0x63: {  	_ =	shalt  }
0x64: {  	_ =	shalt  }
0x65: {  	_ =	shalt  }
0x66: {  	_ =	shalt  }
0x67: {  	_ =	shalt  }
0x68: {  	_ =	shalt  }
0x69: {  	_ =	shalt  }
0x6a: {  	_ =	shalt  }
0x6b: {  	_ =	shalt  }
0x6c: {  	_ =	shalt  }
0x6d: {  	_ =	shalt  }
0x6e: {  	_ =	shalt  }
0x6f: {  	_ =	shalt  }
0x70: {  	_ =	shalt  }
0x71: {  	_ =	shalt  }
0x72: {  	_ =	shalt  }
0x73: {  	_ =	shalt  }
0x74: {  	_ =	shalt  }
0x75: {  	_ =	shalt  }
0x76: {  	_ =	shalt  }
0x77: {  	_ =	shalt  }
0x78: {  	_ =	shalt  }
0x79: {  	_ =	shalt  }
0x7a: {  	_ =	shalt  }
0x7b: {  	_ =	shalt  }
0x7c: {  	_ =	shalt  }
0x7d: {  	_ =	shalt  }
0x7e: {  	_ =	shalt  }
0x7f: {  	_ =	shalt  }
0x80: {  	_ =	shalt  }
0x81: {  	_ =	shalt  }
0x82: {  	_ =	shalt  }
0x83: {  	_ =	shalt  }
0x84: {  	_ =	shalt  }
0x85: {  	_ =	shalt  }
0x86: {  	_ =	shalt  }
0x87: {  	_ =	shalt  }
.Lfunc_end0:
.L_simem_size_0:
called_computation.1_lowered:
.L_overlay_start_0:
0x88: {  	s2 =	sld [smem:$0x3FD9]  }
0x89: {  	s3 =	sld [smem:$0x3FFE];
	_ =	sdelay $0x1  }
0x8a: {  	s1 =	srdreg.scid  }
0x8b: {  	s0 =	sand.u32 $0x1, s1  }
0x8c: {  	s17 =	sshll.u32 s0, $0xA;
	s2 =	sadd.s32 s3, s2  }
0x8d: {  	s2 =	sadd.s32 s2, s17  }
0x8e: {  	[smem:$0x3FC2] =	sst s2  }
0x8f: {  	_ = 	snop  }
0x90: {  	s2 =	sld [smem:$0x3FD0];
	(tm) =	ssettm $0x1  }
0x91: {  	s18 =	sld [smem:$0x3FFB];
	_ =	sdelay $0x3  }
0x92: {  	_ =	strace s18  }
0x93: {  	s3 =	sld [smem:$0x3FFC];
	_ =	sdelay $0x3  }
0x94: {  	_ =	strace s3  }
0x95: {  	s3 =	sld [smem:$0x3FFD];
	_ =	sdelay $0x3  }
0x96: {  	_ =	strace s3  }
0x97: {  	_ =	strace $0x8FFFFFFF  }
0x98: {  	s19 =	sld [smem:$0x3FDB];
	_ =	sdelay $0x1  }
0x99: {  	s4 =	simm.s32 $_scs_section_size  }
0x9a: {  	s5 =	simm.s32 $_size__tile_overlayer_lowered;
	s6 =	simm.s32 $_tile_overlayer_lowered  }
0x9b: {  	s22 =	simm.s32 $0x1BFF;
	s21 =	sshll.u32 s6, $0x1;
	s3 =	sadd.s32 s4, s19  }
0x9c: {  	s7 =	simm.s32 $0x0;
	s20 =	sshll.u32 s5, $0x1;
	s5 =	sadd.s32 s21, s3  }
0x9d: {  	[timem:s7], [sflag:s22] =	dma.local [hbm:s5], s20  }
0x9e: {  	_ =	swait.ge [sflag:s22], s20  }
0x9f: {  	s4 =	ssub.s32 $0x0, s20;
	[sflag:s22] =	ssyncset.done $0x0  }
0xa0: {  	[sflag:s22] =	ssyncadd.s32 s4;
	_ =	sdelay $0x1  }
0xa1: {  	s23 =	simm.s32 $0x1B8B  }
0xa2: {  	_ =	swait.ge [sflag:s23], $0x1  }
0xa3: {  	[sflag:s23] =	ssyncset.done $0x0  }
0xa4: {  	s25 =	simm.s32 $0x1B8E;
	s24 =	sld [smem:$0x3FFE];
	[sflag:s23] =	ssyncadd.s32 $0xFFFFFFFF  }
0xa5: {  	s26 =	simm.s32 $execute0_lowered;
	[smem:$0x3FD2] =	sst s25  }
0xa6: {  	s5 =	sshll.u32 s26, $0x1;
	_ =	strace $0x80000049;
	[dreg:$0x1] =	wrdreg $0xFFFFFFFF  }
0xa7: {  	s28 =	simm.s32 $_size_execute0_lowered;
	s3 =	sadd.s32 s3, s5;
	[dreg:$0x0] =	wrdreg $0x0  }
0xa8: {  	s5 =	sshll.u32 s28, $0x1;
	[dreg:$0x2] =	wrdreg s3  }
0xa9: {  	[dreg:$0x3] =	wrdreg s5  }
0xaa: {  	[dreg:$0x4] =	wrdreg $0xC0  }
0xab: {  	_ =	task [dreg:s7], $0x5FFFF  }
0xac: {  	[dreg:$0x1] =	wrdreg $0xFFFFFFFF  }
0xad: {  	[dreg:$0x0] =	wrdreg $0x60  }
0xae: {  	[dreg:$0x2] =	wrdreg s24  }
0xaf: {  	[dreg:$0x3] =	wrdreg s2  }
0xb0: {  	[dreg:$0x4] =	wrdreg $0x9  }
0xb1: {  	_ =	task.clear_ibuf [dreg:s7], $0x5FFFF;
	_ =	strace $0x90000049  }
0xb2: {  	s29 =	simm.s32 $0x9;
	_ =	strace $0x8000004B  }
0xb3: {  	_ =	swait.ge [sflag:s29], $0x1  }
0xb4: {  	[sflag:s29] =	ssyncadd.s32 $0xFFFFFFFF  }
0xb5: {  	_ =	strace $0x9000004B  }
0xb6: {  	_ =	sfence  }
0xb7: {  	s30 =	sld [smem:$0x0];
	_ =	sdelay $0x2  }
0xb8: {  	s31 =	sshll.u32 s1, $0xD;
	s1 =	sshrl.u32 s1, $0x2  }
0xb9: {  	s3 =	sand.u32 $0x4000, s31;
	s1 =	sadd.s32 s1, s30  }
0xba: {  	s0 =	sor.u32 s3, s0;
	s1 =	sshll.u32 s1, $0x11  }
0xbb: {  	s0 =	sor.u32 s1, s0  }
0xbc: {  	s0 =	sadd.s32 $0x8F2B, s0  }
0xbd: {  	[sflag:s0] =	ssyncadd.remote.s32 $0x1  }
0xbe: {  	_ =	sfence.sel $0xFFFF  }
0xbf: {  	[dreg:$0x0] =	wrdreg $0xFFFFFFFF;
	(pc) =	sbr.abs _section_cstart, $3  }
0xc0: {  	[dreg:$0x1] =	wrdreg $0xFFFFFFFF  }
0xc1: {  	_ =	task.clear_ibuf [dreg:s7], $0x2FFFF;
	_ =	strace $0x9FFFFFFF  }
0xc2: {  	(tm) =	ssettm $0x7FFFFFFF  }
0xc3: {  	_ =	shalt  }
tec
execute0_lowered:
.L_overlay_start_1:
0x0: {  	(tag) =	ssettag $0x1  }
0x1: {  	s0 =	rddreg [dreg:$0x0]  }
0x2: {  	s13 =	rddreg [dreg:$0x1];
	s3 =	srdreg.scid  }
0x3: {  	s2 =	simm.s32 $0x0;
	s1 =	stileid.u32;
	s16 =	simm.s32 $0x80  }
0x4: {  	s17 =	simm.s32 $0x880;
	s18 =	simm.s32 $0x1080;
	s28 =	simm.s32 $0x5880  }
0x5: {  	s29 =	simm.s32 $0x6080;
	s30 =	simm.s32 $0x6880;
	s31 =	simm.s32 $0x7080  }
0x6: {  	s3 =	sand.u32 $0x1, s3;
	[smem:$0x7FF] =	sst s2;
	s4 =	sshll.u32 s1, $0x8  }
0x7: {  	s12 =	sadd.s32 $0x600, s0;
	s5 =	sshll.u32 s3, $0x7;
	_ =	strace $0x8000004A  }
0x8: {  	s6 =	ssub.s32 $0x2, s3;
	s3 =	sadd.s32 $0x800, s0;
	s11 =	sor.u32 s5, s4  }
0x9: {  	s19 =	sshrl.u32 s6, $0x1;
	s4 =	sadd.s32 $0x900, s0;
	s5 =	sshrl.u32 s11, $0x3  }
0xa: {  	s14 =	ssub.s32 s6, s19;
	s6 =	sadd.s32 $0xB00, s0;
	s21 =	sshll.u32 s11, $0x7  }
0xb: {  	s9 =	sor.u32 $0x20, s11;
	s15 =	sor.u32 $0x40, s11;
	s24 =	sor.u32 $0x60, s11  }
0xc: {  	s19 =	simm.s32 $0x1880;
	s20 =	sadd.s32 s12, s5;
	s5 =	sadd.s32 $0xA00, s0  }
0xd: {  	s7 =	sadd.s32 s13, s21;
	s22 =	sshrl.u32 s9, $0x3;
	s23 =	sshll.u32 s9, $0x7  }
0xe: {  	s10 =	sshrl.u32 s15, $0x3;
	s25 =	sshll.u32 s15, $0x7;
	s26 =	sshrl.u32 s24, $0x3  }
0xf: {  	s0 =	sshll.u32 s24, $0x7;
	s14 =	smax.u32 s14, $0x1;
	s15 =	simm.s32 $0x1  }
0x10: {  	s21 =	simm.s32 $0x2880;
	s24 =	simm.s32 $0x4080;
	[dreg:$0x3] =	wrdreg s20  }
0x11: {  	s8 =	sadd.s32 s12, s22;
	s9 =	sadd.s32 s13, s23;
	s10 =	sadd.s32 s12, s10  }
0x12: {  	v2 =	vlaneseq.u32;
	s11 =	sadd.s32 s13, s25;
	s12 =	sadd.s32 s12, s26;
	s13 =	sadd.s32 s13, s0  }
0x13: {  	vm0 =	vmmov $0xffff;
	v1 =	vshrl.u32 v2, $0x3;
	s20 =	simm.s32 $0x2080;
	s22 =	simm.s32 $0x3080;
	s23 =	simm.s32 $0x3880  }
0x14: {  	v0 =	vand.u32 $0x7, v2;
	v2 =	vor.u32 $0x8, v2;
	v1 =	vmul.u32 $0x8, v1;
	s25 =	simm.s32 $0x4880;
	s26 =	simm.s32 $0x5080;
	s0 =	simm.s32 $0x7880  }
.LBB2_1:
0x15: {  	s1 =	rddreg [dreg:$0x3]  }
0x16: {  	[tilespmem:s2], [sflag:$0x1] =	stream.linear.gather [hbm4b:s1+s2], $0x20, $0x38;
	[tilespmem:$0x8080] =	vst v63  }
0x17: {  	_ =	swait.ge [sflag:s15], $0x20  }
0x18: {  	[sflag:s15] =	ssyncset.done $0x0  }
0x19: {  	[sflag:s15] =	ssyncadd.s32 $0xFFFFFFE0  }
0x1a: {  	v3 =	vld [tilespmem:$0x0];
	_ =	sdelay $0x4  }
0x1b: {  	v4 =	vshll.u32 v3, $0x3  }
0x1c: {  	v3 =	vand.u32 $0x7, v3;
	v4 =	vand.u32 $0xFFFFFFC0, v4  }
0x1d: {  	v3 =	vor.u32 v3, v4  }
0x1e: {  	v4 =	vperm.xlane v3, v0;
	_ =	sdelay $0x1  }
0x1f: {  	v4 =	vadd.s32 v1, v4;
	_ =	sdelay $0x4  }
0x20: {  	[tilespmem:s16], [sflag:$0x1] =	stream.indirect_vreg.gather [hbm4b:s3+s2], $0x80, v4, vm0, $0xb8;
	[tilespmem:$0x8080] =	vst v63  }
0x21: {  	v3 =	vperm.xlane v3, v2  }
0x22: {  	[tilespmem:s17], [sflag:$0x1] =	stream.indirect_vreg.gather [hbm4b:s4+s2], $0x80, v4, vm0, $0xb8;
	[tilespmem:$0x8080] =	vst v63  }
0x23: {  	v3 =	vadd.s32 v1, v3  }
0x24: {  	[tilespmem:s18], [sflag:$0x1] =	stream.indirect_vreg.gather [hbm4b:s5+s2], $0x80, v4, vm0, $0xb8;
	[tilespmem:$0x8080] =	vst v63  }
0x25: {  	_ = 	snop  }
0x26: {  	[tilespmem:s19], [sflag:$0x1] =	stream.indirect_vreg.gather [hbm4b:s6+s2], $0x80, v4, vm0, $0xb8;
	[tilespmem:$0x8080] =	vst v63  }
0x27: {  	_ = 	snop  }
0x28: {  	[tilespmem:s20], [sflag:$0x1] =	stream.indirect_vreg.gather [hbm4b:s3+s2], $0x80, v3, vm0, $0xb8;
	[tilespmem:$0x8080] =	vst v63  }
0x29: {  	_ = 	snop  }
0x2a: {  	[tilespmem:s21], [sflag:$0x1] =	stream.indirect_vreg.gather [hbm4b:s4+s2], $0x80, v3, vm0, $0xb8;
	[tilespmem:$0x8080] =	vst v63  }
0x2b: {  	_ = 	snop  }
0x2c: {  	[tilespmem:s22], [sflag:$0x1] =	stream.indirect_vreg.gather [hbm4b:s5+s2], $0x80, v3, vm0, $0xb8;
	[tilespmem:$0x8080] =	vst v63  }
0x2d: {  	_ = 	snop  }
0x2e: {  	[tilespmem:s23], [sflag:$0x1] =	stream.indirect_vreg.gather [hbm4b:s6+s2], $0x80, v3, vm0, $0xb8;
	[tilespmem:$0x8080] =	vst v63  }
0x2f: {  	v3 =	vld [tilespmem:$0x10];
	_ =	sdelay $0x4  }
0x30: {  	v57 =	vshll.u32 v3, $0x3  }
0x31: {  	v3 =	vand.u32 $0x7, v3;
	v4 =	vand.u32 $0xFFFFFFC0, v57  }
0x32: {  	v3 =	vor.u32 v3, v4  }
0x33: {  	v4 =	vperm.xlane v3, v0;
	_ =	sdelay $0x1  }
0x34: {  	v4 =	vadd.s32 v1, v4;
	_ =	sdelay $0x4  }
0x35: {  	[tilespmem:s24], [sflag:$0x1] =	stream.indirect_vreg.gather [hbm4b:s3+s2], $0x80, v4, vm0, $0xb8;
	[tilespmem:$0x8080] =	vst v63  }
0x36: {  	v3 =	vperm.xlane v3, v2  }
0x37: {  	[tilespmem:s25], [sflag:$0x1] =	stream.indirect_vreg.gather [hbm4b:s4+s2], $0x80, v4, vm0, $0xb8;
	[tilespmem:$0x8080] =	vst v63  }
0x38: {  	v3 =	vadd.s32 v1, v3  }
0x39: {  	[tilespmem:s26], [sflag:$0x1] =	stream.indirect_vreg.gather [hbm4b:s5+s2], $0x80, v4, vm0, $0xb8;
	[tilespmem:$0x8080] =	vst v63  }
0x3a: {  	_ = 	snop  }
0x3b: {  	[tilespmem:s28], [sflag:$0x1] =	stream.indirect_vreg.gather [hbm4b:s6+s2], $0x80, v4, vm0, $0xb8;
	[tilespmem:$0x8080] =	vst v63  }
0x3c: {  	_ = 	snop  }
0x3d: {  	[tilespmem:s29], [sflag:$0x1] =	stream.indirect_vreg.gather [hbm4b:s3+s2], $0x80, v3, vm0, $0xb8;
	[tilespmem:$0x8080] =	vst v63  }
0x3e: {  	_ = 	snop  }
0x3f: {  	[tilespmem:s30], [sflag:$0x1] =	stream.indirect_vreg.gather [hbm4b:s4+s2], $0x80, v3, vm0, $0xb8;
	[tilespmem:$0x8080] =	vst v63  }
0x40: {  	_ = 	snop  }
0x41: {  	[tilespmem:s31], [sflag:$0x1] =	stream.indirect_vreg.gather [hbm4b:s5+s2], $0x80, v3, vm0, $0xb8;
	[tilespmem:$0x8080] =	vst v63  }
0x42: {  	_ = 	snop  }
0x43: {  	[tilespmem:s0], [sflag:$0x1] =	stream.indirect_vreg.gather [hbm4b:s6+s2], $0x80, v3, vm0, $0xb8;
	[tilespmem:$0x8080] =	vst v63  }
0x44: {  	_ =	swait.ge [sflag:s15], $0x8000  }
0x45: {  	[sflag:s15] =	ssyncset.done $0x0  }
0x46: {  	[sflag:s15] =	ssyncadd.s32 $0xFFFF8000  }
0x47: {  	[hbm4b:s7+s2] =	stream.linear.scatter [tilespmem:s16], [sflag:$0x1], $0x8000, $0x38;
	[tilespmem:$0x8080] =	vst v63  }
0x48: {  	_ =	swait.ge [sflag:s15], $0x8000  }
0x49: {  	[sflag:s15] =	ssyncset.done $0x0  }
0x4a: {  	[sflag:s15] =	ssyncadd.s32 $0xFFFF8000  }
0x4b: {  	[tilespmem:s2], [sflag:$0x1] =	stream.linear.gather [hbm4b:s8+s2], $0x20, $0x38;
	[tilespmem:$0x8080] =	vst v63  }
0x4c: {  	_ =	swait.ge [sflag:s15], $0x20  }
0x4d: {  	[sflag:s15] =	ssyncset.done $0x0  }
0x4e: {  	[sflag:s15] =	ssyncadd.s32 $0xFFFFFFE0  }
0x4f: {  	v3 =	vld [tilespmem:$0x0];
	_ =	sdelay $0x4  }
0x50: {  	v58 =	vshll.u32 v3, $0x3  }
0x51: {  	v3 =	vand.u32 $0x7, v3;
	v4 =	vand.u32 $0xFFFFFFC0, v58  }
0x52: {  	v3 =	vor.u32 v3, v4  }
0x53: {  	v4 =	vperm.xlane v3, v0;
	_ =	sdelay $0x1  }
0x54: {  	v4 =	vadd.s32 v1, v4;
	_ =	sdelay $0x4  }
0x55: {  	[tilespmem:s16], [sflag:$0x1] =	stream.indirect_vreg.gather [hbm4b:s3+s2], $0x80, v4, vm0, $0xb8;
	[tilespmem:$0x8080] =	vst v63  }
0x56: {  	v3 =	vperm.xlane v3, v2  }
0x57: {  	[tilespmem:s17], [sflag:$0x1] =	stream.indirect_vreg.gather [hbm4b:s4+s2], $0x80, v4, vm0, $0xb8;
	[tilespmem:$0x8080] =	vst v63  }
0x58: {  	v3 =	vadd.s32 v1, v3  }
0x59: {  	[tilespmem:s18], [sflag:$0x1] =	stream.indirect_vreg.gather [hbm4b:s5+s2], $0x80, v4, vm0, $0xb8;
	[tilespmem:$0x8080] =	vst v63  }
0x5a: {  	_ = 	snop  }
0x5b: {  	[tilespmem:s19], [sflag:$0x1] =	stream.indirect_vreg.gather [hbm4b:s6+s2], $0x80, v4, vm0, $0xb8;
	[tilespmem:$0x8080] =	vst v63  }
0x5c: {  	_ = 	snop  }
0x5d: {  	[tilespmem:s20], [sflag:$0x1] =	stream.indirect_vreg.gather [hbm4b:s3+s2], $0x80, v3, vm0, $0xb8;
	[tilespmem:$0x8080] =	vst v63  }
0x5e: {  	_ = 	snop  }
0x5f: {  	[tilespmem:s21], [sflag:$0x1] =	stream.indirect_vreg.gather [hbm4b:s4+s2], $0x80, v3, vm0, $0xb8;
	[tilespmem:$0x8080] =	vst v63  }
0x60: {  	_ = 	snop  }
0x61: {  	[tilespmem:s22], [sflag:$0x1] =	stream.indirect_vreg.gather [hbm4b:s5+s2], $0x80, v3, vm0, $0xb8;
	[tilespmem:$0x8080] =	vst v63  }
0x62: {  	_ = 	snop  }
0x63: {  	[tilespmem:s23], [sflag:$0x1] =	stream.indirect_vreg.gather [hbm4b:s6+s2], $0x80, v3, vm0, $0xb8;
	[tilespmem:$0x8080] =	vst v63  }
0x64: {  	v3 =	vld [tilespmem:$0x10];
	_ =	sdelay $0x4  }
0x65: {  	v59 =	vshll.u32 v3, $0x3  }
0x66: {  	v3 =	vand.u32 $0x7, v3;
	v4 =	vand.u32 $0xFFFFFFC0, v59  }
0x67: {  	v3 =	vor.u32 v3, v4  }
0x68: {  	v4 =	vperm.xlane v3, v0;
	_ =	sdelay $0x1  }
0x69: {  	v4 =	vadd.s32 v1, v4;
	_ =	sdelay $0x4  }
0x6a: {  	[tilespmem:s24], [sflag:$0x1] =	stream.indirect_vreg.gather [hbm4b:s3+s2], $0x80, v4, vm0, $0xb8;
	[tilespmem:$0x8080] =	vst v63  }
0x6b: {  	v3 =	vperm.xlane v3, v2  }
0x6c: {  	[tilespmem:s25], [sflag:$0x1] =	stream.indirect_vreg.gather [hbm4b:s4+s2], $0x80, v4, vm0, $0xb8;
	[tilespmem:$0x8080] =	vst v63  }
0x6d: {  	v3 =	vadd.s32 v1, v3  }
0x6e: {  	[tilespmem:s26], [sflag:$0x1] =	stream.indirect_vreg.gather [hbm4b:s5+s2], $0x80, v4, vm0, $0xb8;
	[tilespmem:$0x8080] =	vst v63  }
0x6f: {  	_ = 	snop  }
0x70: {  	[tilespmem:s28], [sflag:$0x1] =	stream.indirect_vreg.gather [hbm4b:s6+s2], $0x80, v4, vm0, $0xb8;
	[tilespmem:$0x8080] =	vst v63  }
0x71: {  	_ = 	snop  }
0x72: {  	[tilespmem:s29], [sflag:$0x1] =	stream.indirect_vreg.gather [hbm4b:s3+s2], $0x80, v3, vm0, $0xb8;
	[tilespmem:$0x8080] =	vst v63  }
0x73: {  	_ = 	snop  }
0x74: {  	[tilespmem:s30], [sflag:$0x1] =	stream.indirect_vreg.gather [hbm4b:s4+s2], $0x80, v3, vm0, $0xb8;
	[tilespmem:$0x8080] =	vst v63  }
0x75: {  	_ = 	snop  }
0x76: {  	[tilespmem:s31], [sflag:$0x1] =	stream.indirect_vreg.gather [hbm4b:s5+s2], $0x80, v3, vm0, $0xb8;
	[tilespmem:$0x8080] =	vst v63  }
0x77: {  	_ = 	snop  }
0x78: {  	[tilespmem:s0], [sflag:$0x1] =	stream.indirect_vreg.gather [hbm4b:s6+s2], $0x80, v3, vm0, $0xb8;
	[tilespmem:$0x8080] =	vst v63  }
0x79: {  	_ =	swait.ge [sflag:s15], $0x8000  }
0x7a: {  	[sflag:s15] =	ssyncset.done $0x0  }
0x7b: {  	[sflag:s15] =	ssyncadd.s32 $0xFFFF8000  }
0x7c: {  	[hbm4b:s9+s2] =	stream.linear.scatter [tilespmem:s16], [sflag:$0x1], $0x8000, $0x38;
	[tilespmem:$0x8080] =	vst v63  }
0x7d: {  	_ =	swait.ge [sflag:s15], $0x8000  }
0x7e: {  	[sflag:s15] =	ssyncset.done $0x0  }
0x7f: {  	[sflag:s15] =	ssyncadd.s32 $0xFFFF8000  }
0x80: {  	[tilespmem:s2], [sflag:$0x1] =	stream.linear.gather [hbm4b:s10+s2], $0x20, $0x38;
	[tilespmem:$0x8080] =	vst v63  }
0x81: {  	_ =	swait.ge [sflag:s15], $0x20  }
0x82: {  	[sflag:s15] =	ssyncset.done $0x0  }
0x83: {  	[sflag:s15] =	ssyncadd.s32 $0xFFFFFFE0  }
0x84: {  	v3 =	vld [tilespmem:$0x0];
	_ =	sdelay $0x4  }
0x85: {  	v60 =	vshll.u32 v3, $0x3  }
0x86: {  	v3 =	vand.u32 $0x7, v3;
	v4 =	vand.u32 $0xFFFFFFC0, v60  }
0x87: {  	v3 =	vor.u32 v3, v4  }
0x88: {  	v4 =	vperm.xlane v3, v0;
	_ =	sdelay $0x1  }
0x89: {  	v4 =	vadd.s32 v1, v4;
	_ =	sdelay $0x4  }
0x8a: {  	[tilespmem:s16], [sflag:$0x1] =	stream.indirect_vreg.gather [hbm4b:s3+s2], $0x80, v4, vm0, $0xb8;
	[tilespmem:$0x8080] =	vst v63  }
0x8b: {  	v3 =	vperm.xlane v3, v2  }
0x8c: {  	[tilespmem:s17], [sflag:$0x1] =	stream.indirect_vreg.gather [hbm4b:s4+s2], $0x80, v4, vm0, $0xb8;
	[tilespmem:$0x8080] =	vst v63  }
0x8d: {  	v3 =	vadd.s32 v1, v3  }
0x8e: {  	[tilespmem:s18], [sflag:$0x1] =	stream.indirect_vreg.gather [hbm4b:s5+s2], $0x80, v4, vm0, $0xb8;
	[tilespmem:$0x8080] =	vst v63  }
0x8f: {  	_ = 	snop  }
0x90: {  	[tilespmem:s19], [sflag:$0x1] =	stream.indirect_vreg.gather [hbm4b:s6+s2], $0x80, v4, vm0, $0xb8;
	[tilespmem:$0x8080] =	vst v63  }
0x91: {  	_ = 	snop  }
0x92: {  	[tilespmem:s20], [sflag:$0x1] =	stream.indirect_vreg.gather [hbm4b:s3+s2], $0x80, v3, vm0, $0xb8;
	[tilespmem:$0x8080] =	vst v63  }
0x93: {  	_ = 	snop  }
0x94: {  	[tilespmem:s21], [sflag:$0x1] =	stream.indirect_vreg.gather [hbm4b:s4+s2], $0x80, v3, vm0, $0xb8;
	[tilespmem:$0x8080] =	vst v63  }
0x95: {  	_ = 	snop  }
0x96: {  	[tilespmem:s22], [sflag:$0x1] =	stream.indirect_vreg.gather [hbm4b:s5+s2], $0x80, v3, vm0, $0xb8;
	[tilespmem:$0x8080] =	vst v63  }
0x97: {  	_ = 	snop  }
0x98: {  	[tilespmem:s23], [sflag:$0x1] =	stream.indirect_vreg.gather [hbm4b:s6+s2], $0x80, v3, vm0, $0xb8;
	[tilespmem:$0x8080] =	vst v63  }
0x99: {  	v3 =	vld [tilespmem:$0x10];
	_ =	sdelay $0x4  }
0x9a: {  	v61 =	vshll.u32 v3, $0x3  }
0x9b: {  	v3 =	vand.u32 $0x7, v3;
	v4 =	vand.u32 $0xFFFFFFC0, v61  }
0x9c: {  	v3 =	vor.u32 v3, v4  }
0x9d: {  	v4 =	vperm.xlane v3, v0;
	_ =	sdelay $0x1  }
0x9e: {  	v4 =	vadd.s32 v1, v4;
	_ =	sdelay $0x4  }
0x9f: {  	[tilespmem:s24], [sflag:$0x1] =	stream.indirect_vreg.gather [hbm4b:s3+s2], $0x80, v4, vm0, $0xb8;
	[tilespmem:$0x8080] =	vst v63  }
0xa0: {  	v3 =	vperm.xlane v3, v2  }
0xa1: {  	[tilespmem:s25], [sflag:$0x1] =	stream.indirect_vreg.gather [hbm4b:s4+s2], $0x80, v4, vm0, $0xb8;
	[tilespmem:$0x8080] =	vst v63  }
0xa2: {  	v3 =	vadd.s32 v1, v3  }
0xa3: {  	[tilespmem:s26], [sflag:$0x1] =	stream.indirect_vreg.gather [hbm4b:s5+s2], $0x80, v4, vm0, $0xb8;
	[tilespmem:$0x8080] =	vst v63  }
0xa4: {  	_ = 	snop  }
0xa5: {  	[tilespmem:s28], [sflag:$0x1] =	stream.indirect_vreg.gather [hbm4b:s6+s2], $0x80, v4, vm0, $0xb8;
	[tilespmem:$0x8080] =	vst v63  }
0xa6: {  	_ = 	snop  }
0xa7: {  	[tilespmem:s29], [sflag:$0x1] =	stream.indirect_vreg.gather [hbm4b:s3+s2], $0x80, v3, vm0, $0xb8;
	[tilespmem:$0x8080] =	vst v63  }
0xa8: {  	_ = 	snop  }
0xa9: {  	[tilespmem:s30], [sflag:$0x1] =	stream.indirect_vreg.gather [hbm4b:s4+s2], $0x80, v3, vm0, $0xb8;
	[tilespmem:$0x8080] =	vst v63  }
0xaa: {  	_ = 	snop  }
0xab: {  	[tilespmem:s31], [sflag:$0x1] =	stream.indirect_vreg.gather [hbm4b:s5+s2], $0x80, v3, vm0, $0xb8;
	[tilespmem:$0x8080] =	vst v63  }
0xac: {  	_ = 	snop  }
0xad: {  	[tilespmem:s0], [sflag:$0x1] =	stream.indirect_vreg.gather [hbm4b:s6+s2], $0x80, v3, vm0, $0xb8;
	[tilespmem:$0x8080] =	vst v63  }
0xae: {  	_ =	swait.ge [sflag:s15], $0x8000  }
0xaf: {  	[sflag:s15] =	ssyncset.done $0x0  }
0xb0: {  	[sflag:s15] =	ssyncadd.s32 $0xFFFF8000  }
0xb1: {  	[hbm4b:s11+s2] =	stream.linear.scatter [tilespmem:s16], [sflag:$0x1], $0x8000, $0x38;
	[tilespmem:$0x8080] =	vst v63  }
0xb2: {  	_ =	swait.ge [sflag:s15], $0x8000  }
0xb3: {  	[sflag:s15] =	ssyncset.done $0x0  }
0xb4: {  	[sflag:s15] =	ssyncadd.s32 $0xFFFF8000  }
0xb5: {  	[tilespmem:s2], [sflag:$0x1] =	stream.linear.gather [hbm4b:s12+s2], $0x20, $0x38;
	[tilespmem:$0x8080] =	vst v63  }
0xb6: {  	_ =	swait.ge [sflag:s15], $0x20  }
0xb7: {  	[sflag:s15] =	ssyncset.done $0x0  }
0xb8: {  	[sflag:s15] =	ssyncadd.s32 $0xFFFFFFE0  }
0xb9: {  	v3 =	vld [tilespmem:$0x0];
	_ =	sdelay $0x4  }
0xba: {  	v62 =	vshll.u32 v3, $0x3  }
0xbb: {  	v3 =	vand.u32 $0x7, v3;
	v4 =	vand.u32 $0xFFFFFFC0, v62  }
0xbc: {  	v3 =	vor.u32 v3, v4  }
0xbd: {  	v4 =	vperm.xlane v3, v0;
	_ =	sdelay $0x1  }
0xbe: {  	v4 =	vadd.s32 v1, v4;
	_ =	sdelay $0x4  }
0xbf: {  	[tilespmem:s16], [sflag:$0x1] =	stream.indirect_vreg.gather [hbm4b:s3+s2], $0x80, v4, vm0, $0xb8;
	[tilespmem:$0x8080] =	vst v63  }
0xc0: {  	v3 =	vperm.xlane v3, v2  }
0xc1: {  	[tilespmem:s17], [sflag:$0x1] =	stream.indirect_vreg.gather [hbm4b:s4+s2], $0x80, v4, vm0, $0xb8;
	[tilespmem:$0x8080] =	vst v63  }
0xc2: {  	v3 =	vadd.s32 v1, v3  }
0xc3: {  	[tilespmem:s18], [sflag:$0x1] =	stream.indirect_vreg.gather [hbm4b:s5+s2], $0x80, v4, vm0, $0xb8;
	[tilespmem:$0x8080] =	vst v63  }
0xc4: {  	_ = 	snop  }
0xc5: {  	[tilespmem:s19], [sflag:$0x1] =	stream.indirect_vreg.gather [hbm4b:s6+s2], $0x80, v4, vm0, $0xb8;
	[tilespmem:$0x8080] =	vst v63  }
0xc6: {  	_ = 	snop  }
0xc7: {  	[tilespmem:s20], [sflag:$0x1] =	stream.indirect_vreg.gather [hbm4b:s3+s2], $0x80, v3, vm0, $0xb8;
	[tilespmem:$0x8080] =	vst v63  }
0xc8: {  	_ = 	snop  }
0xc9: {  	[tilespmem:s21], [sflag:$0x1] =	stream.indirect_vreg.gather [hbm4b:s4+s2], $0x80, v3, vm0, $0xb8;
	[tilespmem:$0x8080] =	vst v63  }
0xca: {  	_ = 	snop  }
0xcb: {  	[tilespmem:s22], [sflag:$0x1] =	stream.indirect_vreg.gather [hbm4b:s5+s2], $0x80, v3, vm0, $0xb8;
	[tilespmem:$0x8080] =	vst v63  }
0xcc: {  	_ = 	snop  }
0xcd: {  	[tilespmem:s23], [sflag:$0x1] =	stream.indirect_vreg.gather [hbm4b:s6+s2], $0x80, v3, vm0, $0xb8;
	[tilespmem:$0x8080] =	vst v63  }
0xce: {  	v3 =	vld [tilespmem:$0x10];
	_ =	sdelay $0x4  }
0xcf: {  	v63 =	vshll.u32 v3, $0x3  }
0xd0: {  	v3 =	vand.u32 $0x7, v3;
	v4 =	vand.u32 $0xFFFFFFC0, v63  }
0xd1: {  	v3 =	vor.u32 v3, v4  }
0xd2: {  	v4 =	vperm.xlane v3, v0;
	_ =	sdelay $0x1  }
0xd3: {  	v4 =	vadd.s32 v1, v4;
	_ =	sdelay $0x4  }
0xd4: {  	[tilespmem:s24], [sflag:$0x1] =	stream.indirect_vreg.gather [hbm4b:s3+s2], $0x80, v4, vm0, $0xb8;
	[tilespmem:$0x8080] =	vst v63  }
0xd5: {  	v3 =	vperm.xlane v3, v2  }
0xd6: {  	[tilespmem:s25], [sflag:$0x1] =	stream.indirect_vreg.gather [hbm4b:s4+s2], $0x80, v4, vm0, $0xb8;
	[tilespmem:$0x8080] =	vst v63  }
0xd7: {  	v3 =	vadd.s32 v1, v3  }
0xd8: {  	[tilespmem:s26], [sflag:$0x1] =	stream.indirect_vreg.gather [hbm4b:s5+s2], $0x80, v4, vm0, $0xb8;
	[tilespmem:$0x8080] =	vst v63  }
0xd9: {  	_ = 	snop  }
0xda: {  	[tilespmem:s28], [sflag:$0x1] =	stream.indirect_vreg.gather [hbm4b:s6+s2], $0x80, v4, vm0, $0xb8;
	[tilespmem:$0x8080] =	vst v63  }
0xdb: {  	_ = 	snop  }
0xdc: {  	[tilespmem:s29], [sflag:$0x1] =	stream.indirect_vreg.gather [hbm4b:s3+s2], $0x80, v3, vm0, $0xb8;
	[tilespmem:$0x8080] =	vst v63  }
0xdd: {  	_ = 	snop  }
0xde: {  	[tilespmem:s30], [sflag:$0x1] =	stream.indirect_vreg.gather [hbm4b:s4+s2], $0x80, v3, vm0, $0xb8;
	[tilespmem:$0x8080] =	vst v63  }
0xdf: {  	_ = 	snop  }
0xe0: {  	[tilespmem:s31], [sflag:$0x1] =	stream.indirect_vreg.gather [hbm4b:s5+s2], $0x80, v3, vm0, $0xb8;
	[tilespmem:$0x8080] =	vst v63  }
0xe1: {  	_ = 	snop  }
0xe2: {  	[tilespmem:s0], [sflag:$0x1] =	stream.indirect_vreg.gather [hbm4b:s6+s2], $0x80, v3, vm0, $0xb8;
	[tilespmem:$0x8080] =	vst v63  }
0xe3: {  	_ =	swait.ge [sflag:s15], $0x8000  }
0xe4: {  	p0 =	sne.s32 s14, $0x1;
	[sflag:s15] =	ssyncset.done $0x0  }
.Ltmp0:
0xe5: {  	[sflag:s15] =	ssyncadd.s32 $0xFFFF8000;
	(pc) =	sbr.rel @p0 .LBB2_1-.Ltmp0, $4  }
0xe6: {  	[hbm4b:s13+s2] =	stream.linear.scatter [tilespmem:s16], [sflag:$0x1], $0x8000, $0x38;
	[tilespmem:$0x8080] =	vst v63  }
0xe7: {  	_ =	swait.ge [sflag:s15], $0x8000  }
0xe8: {  	[sflag:s15] =	ssyncset.done $0x0  }
0xe9: {  	s14 =	sadd.s32 $0xFFFFFFFF, s14;
	[sflag:s15] =	ssyncadd.s32 $0xFFFF8000  }
0xea: {  	_ =	sfence.sel $0x180000  }
0xeb: {  	[bflag:$0x0] =	sbarrier.arrive $0xFFFF  }
0xec: {  	_ =	strace $0x9000004A  }
0xed: {  	s0 =	stileid.u32;
	[bflag:$0x2] =	sbarrier.arrive $0xFFFF  }
0xee: {  	p0 =	sne.s32 s0, $0x0;
	s0 =	rddreg [dreg:$0x2]  }
0xef: {  	s0 =	sadd.s32 @!p0 $0x100000, s0  }
0xf0: {  	[sflag:s0] =	ssyncadd.tile.s32 @!p0 $0x1;
	_ =	shalt  }
.Lfunc_end2:
_tile_overlayer_lowered:
.L_overlay_start_2:
0xf1: {  	(tag) =	ssettag $0x2  }
0xf2: {  	s0 =	rddreg [dreg:$0x0];
	s2 =	stileid.u32  }
0xf3: {  	s1 =	rddreg [dreg:$0x1];
	p0 =	sne.s32 s2, $0x0  }
0xf4: {  	s3 =	rddreg [dreg:$0x2];
	[bflag:$0x3] =	sbarrier.arrive $0xFFFF;
	s2 =	simm.s32 @!p0 $0x1C01  }
0xf5: {  	[timem:s3], [sflag:s2] =	dma.local @!p0 [hbm:s0], s1  }
0xf6: {  	s0 =	simm.s32 @!p0 $0x1  }
0xf7: {  	_ =	swait.ge @!p0 [sflag:s0], s1  }
0xf8: {  	s1 =	ssub.s32 @!p0 $0x0, s1;
	[sflag:s0] =	ssyncset.done @!p0 $0x0  }
0xf9: {  	[sflag:s0] =	ssyncadd.s32 @!p0 s1  }
0xfa: {  	[bflag:$0x3] =	sbarrier.arrive $0xFFFF  }
0xfb: {  	_ =	shalt  }

// kernel: kernel.7.cloned.1.call-start
scs
__scs_entry_jumppad:
0x0: {  	(pc) =	sbr.rel $0x88, $3  }
0x1: {  	(tag) =	ssettag $0x0;
	lr =	simm.s32 $0x1  }
0x2: {  	[smem:$0x3F9B] =	sst lr;
	_ =	strace $0xD0000000  }
0x3: {  	_ = 	snop  }
0x4: {  	_ = 	snop  }
0x5: {  	_ = 	snop  }
0x6: {  	_ = 	snop  }
0x7: {  	_ = 	snop  }
__scs_overlays_trampoline_lowered:
0x8: {  	[smem:$0x3FAA] =	sst s0  }
0x9: {  	[smem:$0x3FAB] =	sst s1  }
0xa: {  	[smem:$0x3FAC] =	sst s2  }
0xb: {  	[smem:$0x3FAD] =	sst s3  }
0xc: {  	[smem:$0x3FAE] =	sst s4  }
0xd: {  	[smem:$0x3FAF] =	sst s5  }
0xe: {  	[smem:$0x3FB0] =	sst s6  }
0xf: {  	[smem:$0x3FB1] =	sst s7  }
0x10: {  	[smem:$0x3FB2] =	sst s8  }
0x11: {  	[smem:$0x3FB3] =	sst s9;
	s0 =	simm.s32 @!p0 $0x0  }
0x12: {  	s1 =	sld [smem:$0x3F99];
	s0 =	simm.s32 @p0 $0x1  }
0x13: {  	[smem:$0x3FB4] =	sst s0;
	s0 =	simm.s32 @!p1 $0x0  }
0x14: {  	s2 =	sld [smem:$0x3F98];
	s0 =	simm.s32 @p1 $0x1  }
0x15: {  	[smem:$0x3FB5] =	sst s0;
	s0 =	simm.s32 @!p2 $0x0  }
0x16: {  	s3 =	sld [smem:$0x3FDB];
	s0 =	simm.s32 @p2 $0x1  }
0x17: {  	s4 =	simm.s32 $0x1BF5;
	[smem:$0x3FB7] =	sst s0  }
0x18: {  	s0 =	sld [smem:$0x3F9A];
	_ =	swait.ge [sflag:s4], $0x0  }
0x19: {  	s7 =	sld [smem:$0x3F9B]  }
0x1a: {  	s8 =	sadd.s32 $0xFFFFE003, lr  }
0x1b: {  	s9 =	sadd.s32 $0xFFFFFEF7, lr;
	s5 =	simm.s32 $0xFFFFFFFF;
	p2 =	slt.u32 s8, $0xFFFFF086  }
0x1c: {  	p1 =	slt.u32 s9, $0xF7A;
	s5 =	simm.s32 @!p2 $0x0  }
0x1d: {  	s5 =	simm.s32 @p1 $0x1;
	p0 =	seq.s32 s7, s2  }
0x1e: {  	s7 =	smul.u32 @!p0 $0xF7A, s2;
	p2 =	seq.s32 @!p0 s5, $0x0  }
0x1f: {  	s9 =	smul.u32 $0xF7A, s1;
	s8 =	simm.s32 @!p0 $0x1BF5;
	p2 =	por !p2, p0  }
0x20: {  	[sflag:s8] =	ssyncset.s32 @!p0 $0xFFFFF086;
	s6 =	sadd.s32 @!p0 s3, s7;
	s7 =	simm.s32 @!p0 $0x108  }
0x21: {  	s3 =	sadd.s32 s3, s9;
	s6 =	sadd.s32 @!p0 $0x88, s6;
	s7 =	simm.s32 @p2 $0x1082  }
0x22: {  	[simem:s7], [sflag:s8] =	dma.local @!p0 [hbm:s6], $0xF7A  }
0x23: {  	s9 =	sor.u32 $0xD0000000, s2;
	s6 =	simm.s32 $0x108;
	_ =	swait.ge @!p0 [sflag:s8], $0x0  }
0x24: {  	s3 =	sadd.s32 $0x88, s3;
	s6 =	simm.s32 @!p1 $0x1082;
	[sflag:s4] =	ssyncset.s32 $0xFFFFF086  }
0x25: {  	[simem:s6], [sflag:s4] =	dma.local [hbm:s3], $0xF7A  }
0x26: {  	[smem:$0x3F9B] =	sst s1;
	(tag) =	ssettag s2;
	_ =	strace s9  }
0x27: {  	s1 =	sld [smem:$0x3FAB]  }
0x28: {  	s2 =	sld [smem:$0x3FAC]  }
0x29: {  	s4 =	sld [smem:$0x3FAE]  }
0x2a: {  	p0 =	seq.s32 s5, $0x0;
	s5 =	sld [smem:$0x3FAF]  }
0x2b: {  	s6 =	sld [smem:$0x3FB0]  }
0x2c: {  	s7 =	sld [smem:$0x3FB1]  }
0x2d: {  	s3 =	simm.s32 $0x108;
	s8 =	sld [smem:$0x3FB2]  }
0x2e: {  	s3 =	simm.s32 @!p0 $0x1082;
	s9 =	sld [smem:$0x3FB3]  }
0x2f: {  	lr =	sadd.s32 s0, s3;
	s0 =	sld [smem:$0x3FAA]  }
0x30: {  	s3 =	sld [smem:$0x3FAD]  }
0x31: {  	[smem:$0x3FB6] =	sst s10  }
0x32: {  	s10 =	sld [smem:$0x3FB4];
	_ =	sdelay $0x3  }
0x33: {  	p0 =	seq.s32 s10, $0x1;
	s10 =	sld [smem:$0x3FB6];
	_ =	sdelay $0x3  }
0x34: {  	[smem:$0x3FB6] =	sst s10  }
0x35: {  	s10 =	sld [smem:$0x3FB5];
	_ =	sdelay $0x3  }
0x36: {  	p1 =	seq.s32 s10, $0x1;
	s10 =	sld [smem:$0x3FB6];
	_ =	sdelay $0x3  }
0x37: {  	[smem:$0x3FB6] =	sst s10  }
0x38: {  	s10 =	sld [smem:$0x3FB7]  }
0x39: {  	_ = 	snop;
	(pc) =	sbr.ind lr, $3  }
0x3a: {  	_ = 	snop  }
0x3b: {  	_ = 	snop  }
0x3c: {  	p2 =	seq.s32 s10, $0x1;
	s10 =	sld [smem:$0x3FB6]  }
0x3d: {  	_ =	shalt  }
0x3e: {  	_ =	shalt  }
0x3f: {  	_ =	shalt  }
0x40: {  	_ =	shalt  }
0x41: {  	_ =	shalt  }
0x42: {  	_ =	shalt  }
0x43: {  	_ =	shalt  }
0x44: {  	_ =	shalt  }
0x45: {  	_ =	shalt  }
0x46: {  	_ =	shalt  }
0x47: {  	_ =	shalt  }
0x48: {  	_ =	shalt  }
0x49: {  	_ =	shalt  }
0x4a: {  	_ =	shalt  }
0x4b: {  	_ =	shalt  }
0x4c: {  	_ =	shalt  }
0x4d: {  	_ =	shalt  }
0x4e: {  	_ =	shalt  }
0x4f: {  	_ =	shalt  }
0x50: {  	_ =	shalt  }
0x51: {  	_ =	shalt  }
0x52: {  	_ =	shalt  }
0x53: {  	_ =	shalt  }
0x54: {  	_ =	shalt  }
0x55: {  	_ =	shalt  }
0x56: {  	_ =	shalt  }
0x57: {  	_ =	shalt  }
0x58: {  	_ =	shalt  }
0x59: {  	_ =	shalt  }
0x5a: {  	_ =	shalt  }
0x5b: {  	_ =	shalt  }
0x5c: {  	_ =	shalt  }
0x5d: {  	_ =	shalt  }
0x5e: {  	_ =	shalt  }
0x5f: {  	_ =	shalt  }
0x60: {  	_ =	shalt  }
0x61: {  	_ =	shalt  }
0x62: {  	_ =	shalt  }
0x63: {  	_ =	shalt  }
0x64: {  	_ =	shalt  }
0x65: {  	_ =	shalt  }
0x66: {  	_ =	shalt  }
0x67: {  	_ =	shalt  }
0x68: {  	_ =	shalt  }
0x69: {  	_ =	shalt  }
0x6a: {  	_ =	shalt  }
0x6b: {  	_ =	shalt  }
0x6c: {  	_ =	shalt  }
0x6d: {  	_ =	shalt  }
0x6e: {  	_ =	shalt  }
0x6f: {  	_ =	shalt  }
0x70: {  	_ =	shalt  }
0x71: {  	_ =	shalt  }
0x72: {  	_ =	shalt  }
0x73: {  	_ =	shalt  }
0x74: {  	_ =	shalt  }
0x75: {  	_ =	shalt  }
0x76: {  	_ =	shalt  }
0x77: {  	_ =	shalt  }
0x78: {  	_ =	shalt  }
0x79: {  	_ =	shalt  }
0x7a: {  	_ =	shalt  }
0x7b: {  	_ =	shalt  }
0x7c: {  	_ =	shalt  }
0x7d: {  	_ =	shalt  }
0x7e: {  	_ =	shalt  }
0x7f: {  	_ =	shalt  }
0x80: {  	_ =	shalt  }
0x81: {  	_ =	shalt  }
0x82: {  	_ =	shalt  }
0x83: {  	_ =	shalt  }
0x84: {  	_ =	shalt  }
0x85: {  	_ =	shalt  }
0x86: {  	_ =	shalt  }
0x87: {  	_ =	shalt  }
.Lfunc_end0:
.L_simem_size_0:
called_computation_lowered:
.L_overlay_start_0:
0x88: {  	s2 =	sld [smem:$0x3FD9]  }
0x89: {  	s3 =	sld [smem:$0x3FFE];
	_ =	sdelay $0x1  }
0x8a: {  	s1 =	srdreg.scid  }
0x8b: {  	s0 =	sand.u32 $0x1, s1  }
0x8c: {  	s17 =	sshll.u32 s0, $0xA;
	s2 =	sadd.s32 s3, s2  }
0x8d: {  	s2 =	sadd.s32 s2, s17  }
0x8e: {  	[smem:$0x3FC2] =	sst s2  }
0x8f: {  	_ = 	snop  }
0x90: {  	s2 =	sld [smem:$0x3FC9];
	(tm) =	ssettm $0x1  }
0x91: {  	s18 =	sld [smem:$0x3FFB];
	_ =	sdelay $0x3  }
0x92: {  	_ =	strace s18  }
0x93: {  	s3 =	sld [smem:$0x3FFC];
	_ =	sdelay $0x3  }
0x94: {  	_ =	strace s3  }
0x95: {  	s3 =	sld [smem:$0x3FFD];
	_ =	sdelay $0x3  }
0x96: {  	_ =	strace s3  }
0x97: {  	_ =	strace $0x8FFFFFFF  }
0x98: {  	s19 =	sld [smem:$0x3FDB];
	_ =	sdelay $0x1  }
0x99: {  	s4 =	simm.s32 $_scs_section_size  }
0x9a: {  	s5 =	simm.s32 $_size__tile_overlayer_lowered;
	s6 =	simm.s32 $_tile_overlayer_lowered  }
0x9b: {  	s22 =	simm.s32 $0x1BFF;
	s21 =	sshll.u32 s6, $0x1;
	s3 =	sadd.s32 s4, s19  }
0x9c: {  	s7 =	simm.s32 $0x0;
	s20 =	sshll.u32 s5, $0x1;
	s5 =	sadd.s32 s21, s3  }
0x9d: {  	[timem:s7], [sflag:s22] =	dma.local [hbm:s5], s20  }
0x9e: {  	_ =	swait.ge [sflag:s22], s20  }
0x9f: {  	s4 =	ssub.s32 $0x0, s20;
	[sflag:s22] =	ssyncset.done $0x0  }
0xa0: {  	[sflag:s22] =	ssyncadd.s32 s4;
	_ =	sdelay $0x1  }
0xa1: {  	s23 =	simm.s32 $0x1B8B  }
0xa2: {  	_ =	swait.ge [sflag:s23], $0x1  }
0xa3: {  	[sflag:s23] =	ssyncset.done $0x0  }
0xa4: {  	s25 =	simm.s32 $0x1B8E;
	s24 =	sld [smem:$0x3FFE];
	[sflag:s23] =	ssyncadd.s32 $0xFFFFFFFF  }
0xa5: {  	s26 =	simm.s32 $execute0_lowered;
	[smem:$0x3FD2] =	sst s25  }
0xa6: {  	s5 =	sshll.u32 s26, $0x1;
	_ =	strace $0x80000046;
	[dreg:$0x1] =	wrdreg $0xFFFFFFFF  }
0xa7: {  	s28 =	simm.s32 $_size_execute0_lowered;
	s3 =	sadd.s32 s3, s5;
	[dreg:$0x0] =	wrdreg $0x0  }
0xa8: {  	s5 =	sshll.u32 s28, $0x1;
	[dreg:$0x2] =	wrdreg s3  }
0xa9: {  	[dreg:$0x3] =	wrdreg s5  }
0xaa: {  	[dreg:$0x4] =	wrdreg $0xC0  }
0xab: {  	_ =	task [dreg:s7], $0x5FFFF  }
0xac: {  	[dreg:$0x1] =	wrdreg $0xFFFFFFFF  }
0xad: {  	[dreg:$0x0] =	wrdreg $0x60  }
0xae: {  	[dreg:$0x2] =	wrdreg s2  }
0xaf: {  	[dreg:$0x3] =	wrdreg s24  }
0xb0: {  	[dreg:$0x4] =	wrdreg $0x9  }
0xb1: {  	_ =	task.clear_ibuf [dreg:s7], $0x5FFFF;
	_ =	strace $0x90000046  }
0xb2: {  	s29 =	simm.s32 $0x9;
	_ =	strace $0x80000048  }
0xb3: {  	_ =	swait.ge [sflag:s29], $0x1  }
0xb4: {  	[sflag:s29] =	ssyncadd.s32 $0xFFFFFFFF  }
0xb5: {  	_ =	strace $0x90000048  }
0xb6: {  	_ =	sfence  }
0xb7: {  	s30 =	sld [smem:$0x0];
	_ =	sdelay $0x2  }
0xb8: {  	s31 =	sshll.u32 s1, $0xD;
	s1 =	sshrl.u32 s1, $0x2  }
0xb9: {  	s3 =	sand.u32 $0x4000, s31;
	s1 =	sadd.s32 s1, s30  }
0xba: {  	s0 =	sor.u32 s3, s0;
	s1 =	sshll.u32 s1, $0x11  }
0xbb: {  	s0 =	sor.u32 s1, s0  }
0xbc: {  	s0 =	sadd.s32 $0x8F2B, s0  }
0xbd: {  	[sflag:s0] =	ssyncadd.remote.s32 $0x1  }
0xbe: {  	_ =	sfence.sel $0xFFFF  }
0xbf: {  	[dreg:$0x0] =	wrdreg $0xFFFFFFFF;
	(pc) =	sbr.abs _section_cstart, $3  }
0xc0: {  	[dreg:$0x1] =	wrdreg $0xFFFFFFFF  }
0xc1: {  	_ =	task.clear_ibuf [dreg:s7], $0x2FFFF;
	_ =	strace $0x9FFFFFFF  }
0xc2: {  	(tm) =	ssettm $0x7FFFFFFF  }
0xc3: {  	_ =	shalt  }
tec
execute0_lowered:
.L_overlay_start_1:
0x0: {  	(tag) =	ssettag $0x1  }
0x1: {  	s0 =	rddreg [dreg:$0x0]  }
0x2: {  	s7 =	rddreg [dreg:$0x1];
	s3 =	srdreg.scid  }
0x3: {  	s2 =	simm.s32 $0x0;
	s1 =	stileid.u32;
	s17 =	simm.s32 $0x880  }
0x4: {  	s18 =	simm.s32 $0x1080;
	s19 =	simm.s32 $0x1880;
	s20 =	simm.s32 $0x2080  }
0x5: {  	s21 =	simm.s32 $0x2880;
	s22 =	simm.s32 $0x3080;
	s23 =	simm.s32 $0x3880  }
0x6: {  	s24 =	simm.s32 $0x4080;
	s28 =	simm.s32 $0x5880;
	s29 =	simm.s32 $0x6080  }
0x7: {  	s30 =	simm.s32 $0x6880;
	s31 =	simm.s32 $0x7080;
	s4 =	sand.u32 $0x1, s3  }
0x8: {  	[smem:$0x7FF] =	sst s2;
	s25 =	sshll.u32 s1, $0x8;
	s12 =	sadd.s32 $0x600, s7  }
0x9: {  	s3 =	sadd.s32 $0x800, s7;
	s5 =	sshll.u32 s4, $0x7;
	s4 =	ssub.s32 $0x2, s4  }
0xa: {  	_ =	strace $0x80000047;
	s11 =	sor.u32 s5, s25;
	s6 =	sshrl.u32 s4, $0x1  }
0xb: {  	s25 =	simm.s32 $0x4880;
	s5 =	sshrl.u32 s11, $0x3;
	s8 =	sshll.u32 s11, $0x7  }
0xc: {  	s14 =	ssub.s32 s4, s6;
	s6 =	sadd.s32 $0xA00, s7;
	s9 =	sor.u32 $0x20, s11  }
0xd: {  	s13 =	sor.u32 $0x40, s11;
	s11 =	sor.u32 $0x60, s11;
	s5 =	sadd.s32 s12, s5  }
0xe: {  	s4 =	sadd.s32 s0, s8;
	s26 =	sshrl.u32 s9, $0x3;
	s9 =	sshll.u32 s9, $0x7  }
0xf: {  	s10 =	sshrl.u32 s13, $0x3;
	s13 =	sshll.u32 s13, $0x7;
	s15 =	sshrl.u32 s11, $0x3  }
0x10: {  	s16 =	sshll.u32 s11, $0x7;
	s14 =	smax.u32 s14, $0x1;
	[dreg:$0x3] =	wrdreg s5  }
0x11: {  	s5 =	sadd.s32 $0x900, s7;
	s7 =	sadd.s32 $0xB00, s7;
	s8 =	sadd.s32 s12, s26  }
0x12: {  	v2 =	vlaneseq.u32;
	s9 =	sadd.s32 s0, s9;
	s10 =	sadd.s32 s12, s10;
	s11 =	sadd.s32 s0, s13  }
0x13: {  	vm0 =	vmmov $0xffff;
	v1 =	vshrl.u32 v2, $0x3;
	s12 =	sadd.s32 s12, s15;
	s13 =	sadd.s32 s0, s16;
	s15 =	simm.s32 $0x1  }
0x14: {  	v0 =	vand.u32 $0x7, v2;
	v2 =	vor.u32 $0x8, v2;
	v1 =	vmul.u32 $0x8, v1;
	s16 =	simm.s32 $0x80;
	s26 =	simm.s32 $0x5080;
	s0 =	simm.s32 $0x7880  }
.LBB2_1:
0x15: {  	s1 =	rddreg [dreg:$0x3]  }
0x16: {  	[tilespmem:s2], [sflag:$0x1] =	stream.linear.gather [hbm4b:s1+s2], $0x20, $0x38;
	[tilespmem:$0x8080] =	vst v63  }
0x17: {  	_ =	swait.ge [sflag:s15], $0x20  }
0x18: {  	[sflag:s15] =	ssyncset.done $0x0  }
0x19: {  	[sflag:s15] =	ssyncadd.s32 $0xFFFFFFE0  }
0x1a: {  	[tilespmem:s16], [sflag:$0x1] =	stream.linear.gather [hbm4b:s4+s2], $0x8000, $0x38;
	[tilespmem:$0x8080] =	vst v63  }
0x1b: {  	_ =	swait.ge [sflag:s15], $0x8000  }
0x1c: {  	[sflag:s15] =	ssyncset.done $0x0  }
0x1d: {  	[sflag:s15] =	ssyncadd.s32 $0xFFFF8000  }
0x1e: {  	v3 =	vld [tilespmem:$0x0];
	_ =	sdelay $0x4  }
0x1f: {  	v4 =	vshll.u32 v3, $0x3  }
0x20: {  	v3 =	vand.u32 $0x7, v3;
	v4 =	vand.u32 $0xFFFFFFC0, v4  }
0x21: {  	v3 =	vor.u32 v3, v4  }
0x22: {  	v4 =	vperm.xlane v3, v0;
	_ =	sdelay $0x1  }
0x23: {  	v4 =	vadd.s32 v1, v4;
	_ =	sdelay $0x4  }
0x24: {  	[hbm4b:s3+s2] =	stream.indirect_vreg.scatter [tilespmem:s16], [sflag:$0x1], $0x80, v4, vm0, $0xb8;
	[tilespmem:$0x8080] =	vst v63  }
0x25: {  	v3 =	vperm.xlane v3, v2  }
0x26: {  	[hbm4b:s5+s2] =	stream.indirect_vreg.scatter [tilespmem:s17], [sflag:$0x1], $0x80, v4, vm0, $0xb8;
	[tilespmem:$0x8080] =	vst v63  }
0x27: {  	v3 =	vadd.s32 v1, v3  }
0x28: {  	[hbm4b:s6+s2] =	stream.indirect_vreg.scatter [tilespmem:s18], [sflag:$0x1], $0x80, v4, vm0, $0xb8;
	[tilespmem:$0x8080] =	vst v63  }
0x29: {  	_ = 	snop  }
0x2a: {  	[hbm4b:s7+s2] =	stream.indirect_vreg.scatter [tilespmem:s19], [sflag:$0x1], $0x80, v4, vm0, $0xb8;
	[tilespmem:$0x8080] =	vst v63  }
0x2b: {  	_ = 	snop  }
0x2c: {  	[hbm4b:s3+s2] =	stream.indirect_vreg.scatter [tilespmem:s20], [sflag:$0x1], $0x80, v3, vm0, $0xb8;
	[tilespmem:$0x8080] =	vst v63  }
0x2d: {  	_ = 	snop  }
0x2e: {  	[hbm4b:s5+s2] =	stream.indirect_vreg.scatter [tilespmem:s21], [sflag:$0x1], $0x80, v3, vm0, $0xb8;
	[tilespmem:$0x8080] =	vst v63  }
0x2f: {  	_ = 	snop  }
0x30: {  	[hbm4b:s6+s2] =	stream.indirect_vreg.scatter [tilespmem:s22], [sflag:$0x1], $0x80, v3, vm0, $0xb8;
	[tilespmem:$0x8080] =	vst v63  }
0x31: {  	_ = 	snop  }
0x32: {  	[hbm4b:s7+s2] =	stream.indirect_vreg.scatter [tilespmem:s23], [sflag:$0x1], $0x80, v3, vm0, $0xb8;
	[tilespmem:$0x8080] =	vst v63  }
0x33: {  	v3 =	vld [tilespmem:$0x10];
	_ =	sdelay $0x4  }
0x34: {  	v57 =	vshll.u32 v3, $0x3  }
0x35: {  	v3 =	vand.u32 $0x7, v3;
	v4 =	vand.u32 $0xFFFFFFC0, v57  }
0x36: {  	v3 =	vor.u32 v3, v4  }
0x37: {  	v4 =	vperm.xlane v3, v0;
	_ =	sdelay $0x1  }
0x38: {  	v4 =	vadd.s32 v1, v4;
	_ =	sdelay $0x4  }
0x39: {  	[hbm4b:s3+s2] =	stream.indirect_vreg.scatter [tilespmem:s24], [sflag:$0x1], $0x80, v4, vm0, $0xb8;
	[tilespmem:$0x8080] =	vst v63  }
0x3a: {  	v3 =	vperm.xlane v3, v2  }
0x3b: {  	[hbm4b:s5+s2] =	stream.indirect_vreg.scatter [tilespmem:s25], [sflag:$0x1], $0x80, v4, vm0, $0xb8;
	[tilespmem:$0x8080] =	vst v63  }
0x3c: {  	v3 =	vadd.s32 v1, v3  }
0x3d: {  	[hbm4b:s6+s2] =	stream.indirect_vreg.scatter [tilespmem:s26], [sflag:$0x1], $0x80, v4, vm0, $0xb8;
	[tilespmem:$0x8080] =	vst v63  }
0x3e: {  	_ = 	snop  }
0x3f: {  	[hbm4b:s7+s2] =	stream.indirect_vreg.scatter [tilespmem:s28], [sflag:$0x1], $0x80, v4, vm0, $0xb8;
	[tilespmem:$0x8080] =	vst v63  }
0x40: {  	_ = 	snop  }
0x41: {  	[hbm4b:s3+s2] =	stream.indirect_vreg.scatter [tilespmem:s29], [sflag:$0x1], $0x80, v3, vm0, $0xb8;
	[tilespmem:$0x8080] =	vst v63  }
0x42: {  	_ = 	snop  }
0x43: {  	[hbm4b:s5+s2] =	stream.indirect_vreg.scatter [tilespmem:s30], [sflag:$0x1], $0x80, v3, vm0, $0xb8;
	[tilespmem:$0x8080] =	vst v63  }
0x44: {  	_ = 	snop  }
0x45: {  	[hbm4b:s6+s2] =	stream.indirect_vreg.scatter [tilespmem:s31], [sflag:$0x1], $0x80, v3, vm0, $0xb8;
	[tilespmem:$0x8080] =	vst v63  }
0x46: {  	_ = 	snop  }
0x47: {  	[hbm4b:s7+s2] =	stream.indirect_vreg.scatter [tilespmem:s0], [sflag:$0x1], $0x80, v3, vm0, $0xb8;
	[tilespmem:$0x8080] =	vst v63  }
0x48: {  	_ =	swait.ge [sflag:s15], $0x8000  }
0x49: {  	[sflag:s15] =	ssyncset.done $0x0  }
0x4a: {  	[sflag:s15] =	ssyncadd.s32 $0xFFFF8000  }
0x4b: {  	[tilespmem:s2], [sflag:$0x1] =	stream.linear.gather [hbm4b:s8+s2], $0x20, $0x38;
	[tilespmem:$0x8080] =	vst v63  }
0x4c: {  	_ =	swait.ge [sflag:s15], $0x20  }
0x4d: {  	[sflag:s15] =	ssyncset.done $0x0  }
0x4e: {  	[sflag:s15] =	ssyncadd.s32 $0xFFFFFFE0  }
0x4f: {  	[tilespmem:s16], [sflag:$0x1] =	stream.linear.gather [hbm4b:s9+s2], $0x8000, $0x38;
	[tilespmem:$0x8080] =	vst v63  }
0x50: {  	_ =	swait.ge [sflag:s15], $0x8000  }
0x51: {  	[sflag:s15] =	ssyncset.done $0x0  }
0x52: {  	[sflag:s15] =	ssyncadd.s32 $0xFFFF8000  }
0x53: {  	v3 =	vld [tilespmem:$0x0];
	_ =	sdelay $0x4  }
0x54: {  	v58 =	vshll.u32 v3, $0x3  }
0x55: {  	v3 =	vand.u32 $0x7, v3;
	v4 =	vand.u32 $0xFFFFFFC0, v58  }
0x56: {  	v3 =	vor.u32 v3, v4  }
0x57: {  	v4 =	vperm.xlane v3, v0;
	_ =	sdelay $0x1  }
0x58: {  	v4 =	vadd.s32 v1, v4;
	_ =	sdelay $0x4  }
0x59: {  	[hbm4b:s3+s2] =	stream.indirect_vreg.scatter [tilespmem:s16], [sflag:$0x1], $0x80, v4, vm0, $0xb8;
	[tilespmem:$0x8080] =	vst v63  }
0x5a: {  	v3 =	vperm.xlane v3, v2  }
0x5b: {  	[hbm4b:s5+s2] =	stream.indirect_vreg.scatter [tilespmem:s17], [sflag:$0x1], $0x80, v4, vm0, $0xb8;
	[tilespmem:$0x8080] =	vst v63  }
0x5c: {  	v3 =	vadd.s32 v1, v3  }
0x5d: {  	[hbm4b:s6+s2] =	stream.indirect_vreg.scatter [tilespmem:s18], [sflag:$0x1], $0x80, v4, vm0, $0xb8;
	[tilespmem:$0x8080] =	vst v63  }
0x5e: {  	_ = 	snop  }
0x5f: {  	[hbm4b:s7+s2] =	stream.indirect_vreg.scatter [tilespmem:s19], [sflag:$0x1], $0x80, v4, vm0, $0xb8;
	[tilespmem:$0x8080] =	vst v63  }
0x60: {  	_ = 	snop  }
0x61: {  	[hbm4b:s3+s2] =	stream.indirect_vreg.scatter [tilespmem:s20], [sflag:$0x1], $0x80, v3, vm0, $0xb8;
	[tilespmem:$0x8080] =	vst v63  }
0x62: {  	_ = 	snop  }
0x63: {  	[hbm4b:s5+s2] =	stream.indirect_vreg.scatter [tilespmem:s21], [sflag:$0x1], $0x80, v3, vm0, $0xb8;
	[tilespmem:$0x8080] =	vst v63  }
0x64: {  	_ = 	snop  }
0x65: {  	[hbm4b:s6+s2] =	stream.indirect_vreg.scatter [tilespmem:s22], [sflag:$0x1], $0x80, v3, vm0, $0xb8;
	[tilespmem:$0x8080] =	vst v63  }
0x66: {  	_ = 	snop  }
0x67: {  	[hbm4b:s7+s2] =	stream.indirect_vreg.scatter [tilespmem:s23], [sflag:$0x1], $0x80, v3, vm0, $0xb8;
	[tilespmem:$0x8080] =	vst v63  }
0x68: {  	v3 =	vld [tilespmem:$0x10];
	_ =	sdelay $0x4  }
0x69: {  	v59 =	vshll.u32 v3, $0x3  }
0x6a: {  	v3 =	vand.u32 $0x7, v3;
	v4 =	vand.u32 $0xFFFFFFC0, v59  }
0x6b: {  	v3 =	vor.u32 v3, v4  }
0x6c: {  	v4 =	vperm.xlane v3, v0;
	_ =	sdelay $0x1  }
0x6d: {  	v4 =	vadd.s32 v1, v4;
	_ =	sdelay $0x4  }
0x6e: {  	[hbm4b:s3+s2] =	stream.indirect_vreg.scatter [tilespmem:s24], [sflag:$0x1], $0x80, v4, vm0, $0xb8;
	[tilespmem:$0x8080] =	vst v63  }
0x6f: {  	v3 =	vperm.xlane v3, v2  }
0x70: {  	[hbm4b:s5+s2] =	stream.indirect_vreg.scatter [tilespmem:s25], [sflag:$0x1], $0x80, v4, vm0, $0xb8;
	[tilespmem:$0x8080] =	vst v63  }
0x71: {  	v3 =	vadd.s32 v1, v3  }
0x72: {  	[hbm4b:s6+s2] =	stream.indirect_vreg.scatter [tilespmem:s26], [sflag:$0x1], $0x80, v4, vm0, $0xb8;
	[tilespmem:$0x8080] =	vst v63  }
0x73: {  	_ = 	snop  }
0x74: {  	[hbm4b:s7+s2] =	stream.indirect_vreg.scatter [tilespmem:s28], [sflag:$0x1], $0x80, v4, vm0, $0xb8;
	[tilespmem:$0x8080] =	vst v63  }
0x75: {  	_ = 	snop  }
0x76: {  	[hbm4b:s3+s2] =	stream.indirect_vreg.scatter [tilespmem:s29], [sflag:$0x1], $0x80, v3, vm0, $0xb8;
	[tilespmem:$0x8080] =	vst v63  }
0x77: {  	_ = 	snop  }
0x78: {  	[hbm4b:s5+s2] =	stream.indirect_vreg.scatter [tilespmem:s30], [sflag:$0x1], $0x80, v3, vm0, $0xb8;
	[tilespmem:$0x8080] =	vst v63  }
0x79: {  	_ = 	snop  }
0x7a: {  	[hbm4b:s6+s2] =	stream.indirect_vreg.scatter [tilespmem:s31], [sflag:$0x1], $0x80, v3, vm0, $0xb8;
	[tilespmem:$0x8080] =	vst v63  }
0x7b: {  	_ = 	snop  }
0x7c: {  	[hbm4b:s7+s2] =	stream.indirect_vreg.scatter [tilespmem:s0], [sflag:$0x1], $0x80, v3, vm0, $0xb8;
	[tilespmem:$0x8080] =	vst v63  }
0x7d: {  	_ =	swait.ge [sflag:s15], $0x8000  }
0x7e: {  	[sflag:s15] =	ssyncset.done $0x0  }
0x7f: {  	[sflag:s15] =	ssyncadd.s32 $0xFFFF8000  }
0x80: {  	[tilespmem:s2], [sflag:$0x1] =	stream.linear.gather [hbm4b:s10+s2], $0x20, $0x38;
	[tilespmem:$0x8080] =	vst v63  }
0x81: {  	_ =	swait.ge [sflag:s15], $0x20  }
0x82: {  	[sflag:s15] =	ssyncset.done $0x0  }
0x83: {  	[sflag:s15] =	ssyncadd.s32 $0xFFFFFFE0  }
0x84: {  	[tilespmem:s16], [sflag:$0x1] =	stream.linear.gather [hbm4b:s11+s2], $0x8000, $0x38;
	[tilespmem:$0x8080] =	vst v63  }
0x85: {  	_ =	swait.ge [sflag:s15], $0x8000  }
0x86: {  	[sflag:s15] =	ssyncset.done $0x0  }
0x87: {  	[sflag:s15] =	ssyncadd.s32 $0xFFFF8000  }
0x88: {  	v3 =	vld [tilespmem:$0x0];
	_ =	sdelay $0x4  }
0x89: {  	v60 =	vshll.u32 v3, $0x3  }
0x8a: {  	v3 =	vand.u32 $0x7, v3;
	v4 =	vand.u32 $0xFFFFFFC0, v60  }
0x8b: {  	v3 =	vor.u32 v3, v4  }
0x8c: {  	v4 =	vperm.xlane v3, v0;
	_ =	sdelay $0x1  }
0x8d: {  	v4 =	vadd.s32 v1, v4;
	_ =	sdelay $0x4  }
0x8e: {  	[hbm4b:s3+s2] =	stream.indirect_vreg.scatter [tilespmem:s16], [sflag:$0x1], $0x80, v4, vm0, $0xb8;
	[tilespmem:$0x8080] =	vst v63  }
0x8f: {  	v3 =	vperm.xlane v3, v2  }
0x90: {  	[hbm4b:s5+s2] =	stream.indirect_vreg.scatter [tilespmem:s17], [sflag:$0x1], $0x80, v4, vm0, $0xb8;
	[tilespmem:$0x8080] =	vst v63  }
0x91: {  	v3 =	vadd.s32 v1, v3  }
0x92: {  	[hbm4b:s6+s2] =	stream.indirect_vreg.scatter [tilespmem:s18], [sflag:$0x1], $0x80, v4, vm0, $0xb8;
	[tilespmem:$0x8080] =	vst v63  }
0x93: {  	_ = 	snop  }
0x94: {  	[hbm4b:s7+s2] =	stream.indirect_vreg.scatter [tilespmem:s19], [sflag:$0x1], $0x80, v4, vm0, $0xb8;
	[tilespmem:$0x8080] =	vst v63  }
0x95: {  	_ = 	snop  }
0x96: {  	[hbm4b:s3+s2] =	stream.indirect_vreg.scatter [tilespmem:s20], [sflag:$0x1], $0x80, v3, vm0, $0xb8;
	[tilespmem:$0x8080] =	vst v63  }
0x97: {  	_ = 	snop  }
0x98: {  	[hbm4b:s5+s2] =	stream.indirect_vreg.scatter [tilespmem:s21], [sflag:$0x1], $0x80, v3, vm0, $0xb8;
	[tilespmem:$0x8080] =	vst v63  }
0x99: {  	_ = 	snop  }
0x9a: {  	[hbm4b:s6+s2] =	stream.indirect_vreg.scatter [tilespmem:s22], [sflag:$0x1], $0x80, v3, vm0, $0xb8;
	[tilespmem:$0x8080] =	vst v63  }
0x9b: {  	_ = 	snop  }
0x9c: {  	[hbm4b:s7+s2] =	stream.indirect_vreg.scatter [tilespmem:s23], [sflag:$0x1], $0x80, v3, vm0, $0xb8;
	[tilespmem:$0x8080] =	vst v63  }
0x9d: {  	v3 =	vld [tilespmem:$0x10];
	_ =	sdelay $0x4  }
0x9e: {  	v61 =	vshll.u32 v3, $0x3  }
0x9f: {  	v3 =	vand.u32 $0x7, v3;
	v4 =	vand.u32 $0xFFFFFFC0, v61  }
0xa0: {  	v3 =	vor.u32 v3, v4  }
0xa1: {  	v4 =	vperm.xlane v3, v0;
	_ =	sdelay $0x1  }
0xa2: {  	v4 =	vadd.s32 v1, v4;
	_ =	sdelay $0x4  }
0xa3: {  	[hbm4b:s3+s2] =	stream.indirect_vreg.scatter [tilespmem:s24], [sflag:$0x1], $0x80, v4, vm0, $0xb8;
	[tilespmem:$0x8080] =	vst v63  }
0xa4: {  	v3 =	vperm.xlane v3, v2  }
0xa5: {  	[hbm4b:s5+s2] =	stream.indirect_vreg.scatter [tilespmem:s25], [sflag:$0x1], $0x80, v4, vm0, $0xb8;
	[tilespmem:$0x8080] =	vst v63  }
0xa6: {  	v3 =	vadd.s32 v1, v3  }
0xa7: {  	[hbm4b:s6+s2] =	stream.indirect_vreg.scatter [tilespmem:s26], [sflag:$0x1], $0x80, v4, vm0, $0xb8;
	[tilespmem:$0x8080] =	vst v63  }
0xa8: {  	_ = 	snop  }
0xa9: {  	[hbm4b:s7+s2] =	stream.indirect_vreg.scatter [tilespmem:s28], [sflag:$0x1], $0x80, v4, vm0, $0xb8;
	[tilespmem:$0x8080] =	vst v63  }
0xaa: {  	_ = 	snop  }
0xab: {  	[hbm4b:s3+s2] =	stream.indirect_vreg.scatter [tilespmem:s29], [sflag:$0x1], $0x80, v3, vm0, $0xb8;
	[tilespmem:$0x8080] =	vst v63  }
0xac: {  	_ = 	snop  }
0xad: {  	[hbm4b:s5+s2] =	stream.indirect_vreg.scatter [tilespmem:s30], [sflag:$0x1], $0x80, v3, vm0, $0xb8;
	[tilespmem:$0x8080] =	vst v63  }
0xae: {  	_ = 	snop  }
0xaf: {  	[hbm4b:s6+s2] =	stream.indirect_vreg.scatter [tilespmem:s31], [sflag:$0x1], $0x80, v3, vm0, $0xb8;
	[tilespmem:$0x8080] =	vst v63  }
0xb0: {  	_ = 	snop  }
0xb1: {  	[hbm4b:s7+s2] =	stream.indirect_vreg.scatter [tilespmem:s0], [sflag:$0x1], $0x80, v3, vm0, $0xb8;
	[tilespmem:$0x8080] =	vst v63  }
0xb2: {  	_ =	swait.ge [sflag:s15], $0x8000  }
0xb3: {  	[sflag:s15] =	ssyncset.done $0x0  }
0xb4: {  	[sflag:s15] =	ssyncadd.s32 $0xFFFF8000  }
0xb5: {  	[tilespmem:s2], [sflag:$0x1] =	stream.linear.gather [hbm4b:s12+s2], $0x20, $0x38;
	[tilespmem:$0x8080] =	vst v63  }
0xb6: {  	_ =	swait.ge [sflag:s15], $0x20  }
0xb7: {  	[sflag:s15] =	ssyncset.done $0x0  }
0xb8: {  	[sflag:s15] =	ssyncadd.s32 $0xFFFFFFE0  }
0xb9: {  	[tilespmem:s16], [sflag:$0x1] =	stream.linear.gather [hbm4b:s13+s2], $0x8000, $0x38;
	[tilespmem:$0x8080] =	vst v63  }
0xba: {  	_ =	swait.ge [sflag:s15], $0x8000  }
0xbb: {  	[sflag:s15] =	ssyncset.done $0x0  }
0xbc: {  	[sflag:s15] =	ssyncadd.s32 $0xFFFF8000  }
0xbd: {  	v3 =	vld [tilespmem:$0x0];
	_ =	sdelay $0x4  }
0xbe: {  	v62 =	vshll.u32 v3, $0x3  }
0xbf: {  	v3 =	vand.u32 $0x7, v3;
	v4 =	vand.u32 $0xFFFFFFC0, v62  }
0xc0: {  	v3 =	vor.u32 v3, v4  }
0xc1: {  	v4 =	vperm.xlane v3, v0;
	_ =	sdelay $0x1  }
0xc2: {  	v4 =	vadd.s32 v1, v4;
	_ =	sdelay $0x4  }
0xc3: {  	[hbm4b:s3+s2] =	stream.indirect_vreg.scatter [tilespmem:s16], [sflag:$0x1], $0x80, v4, vm0, $0xb8;
	[tilespmem:$0x8080] =	vst v63  }
0xc4: {  	v3 =	vperm.xlane v3, v2  }
0xc5: {  	[hbm4b:s5+s2] =	stream.indirect_vreg.scatter [tilespmem:s17], [sflag:$0x1], $0x80, v4, vm0, $0xb8;
	[tilespmem:$0x8080] =	vst v63  }
0xc6: {  	v3 =	vadd.s32 v1, v3  }
0xc7: {  	[hbm4b:s6+s2] =	stream.indirect_vreg.scatter [tilespmem:s18], [sflag:$0x1], $0x80, v4, vm0, $0xb8;
	[tilespmem:$0x8080] =	vst v63  }
0xc8: {  	_ = 	snop  }
0xc9: {  	[hbm4b:s7+s2] =	stream.indirect_vreg.scatter [tilespmem:s19], [sflag:$0x1], $0x80, v4, vm0, $0xb8;
	[tilespmem:$0x8080] =	vst v63  }
0xca: {  	_ = 	snop  }
0xcb: {  	[hbm4b:s3+s2] =	stream.indirect_vreg.scatter [tilespmem:s20], [sflag:$0x1], $0x80, v3, vm0, $0xb8;
	[tilespmem:$0x8080] =	vst v63  }
0xcc: {  	_ = 	snop  }
0xcd: {  	[hbm4b:s5+s2] =	stream.indirect_vreg.scatter [tilespmem:s21], [sflag:$0x1], $0x80, v3, vm0, $0xb8;
	[tilespmem:$0x8080] =	vst v63  }
0xce: {  	_ = 	snop  }
0xcf: {  	[hbm4b:s6+s2] =	stream.indirect_vreg.scatter [tilespmem:s22], [sflag:$0x1], $0x80, v3, vm0, $0xb8;
	[tilespmem:$0x8080] =	vst v63  }
0xd0: {  	_ = 	snop  }
0xd1: {  	[hbm4b:s7+s2] =	stream.indirect_vreg.scatter [tilespmem:s23], [sflag:$0x1], $0x80, v3, vm0, $0xb8;
	[tilespmem:$0x8080] =	vst v63  }
0xd2: {  	v3 =	vld [tilespmem:$0x10];
	_ =	sdelay $0x4  }
0xd3: {  	v63 =	vshll.u32 v3, $0x3  }
0xd4: {  	v3 =	vand.u32 $0x7, v3;
	v4 =	vand.u32 $0xFFFFFFC0, v63  }
0xd5: {  	v3 =	vor.u32 v3, v4  }
0xd6: {  	v4 =	vperm.xlane v3, v0;
	_ =	sdelay $0x1  }
0xd7: {  	v4 =	vadd.s32 v1, v4;
	_ =	sdelay $0x4  }
0xd8: {  	[hbm4b:s3+s2] =	stream.indirect_vreg.scatter [tilespmem:s24], [sflag:$0x1], $0x80, v4, vm0, $0xb8;
	[tilespmem:$0x8080] =	vst v63  }
0xd9: {  	v3 =	vperm.xlane v3, v2  }
0xda: {  	[hbm4b:s5+s2] =	stream.indirect_vreg.scatter [tilespmem:s25], [sflag:$0x1], $0x80, v4, vm0, $0xb8;
	[tilespmem:$0x8080] =	vst v63  }
0xdb: {  	v3 =	vadd.s32 v1, v3  }
0xdc: {  	[hbm4b:s6+s2] =	stream.indirect_vreg.scatter [tilespmem:s26], [sflag:$0x1], $0x80, v4, vm0, $0xb8;
	[tilespmem:$0x8080] =	vst v63  }
0xdd: {  	_ = 	snop  }
0xde: {  	[hbm4b:s7+s2] =	stream.indirect_vreg.scatter [tilespmem:s28], [sflag:$0x1], $0x80, v4, vm0, $0xb8;
	[tilespmem:$0x8080] =	vst v63  }
0xdf: {  	_ = 	snop  }
0xe0: {  	[hbm4b:s3+s2] =	stream.indirect_vreg.scatter [tilespmem:s29], [sflag:$0x1], $0x80, v3, vm0, $0xb8;
	[tilespmem:$0x8080] =	vst v63  }
0xe1: {  	_ = 	snop  }
0xe2: {  	[hbm4b:s5+s2] =	stream.indirect_vreg.scatter [tilespmem:s30], [sflag:$0x1], $0x80, v3, vm0, $0xb8;
	[tilespmem:$0x8080] =	vst v63  }
0xe3: {  	p0 =	sne.s32 s14, $0x1  }
0xe4: {  	[hbm4b:s6+s2] =	stream.indirect_vreg.scatter [tilespmem:s31], [sflag:$0x1], $0x80, v3, vm0, $0xb8;
	[tilespmem:$0x8080] =	vst v63  }
.Ltmp0:
0xe5: {  	_ = 	snop;
	(pc) =	sbr.rel @p0 .LBB2_1-.Ltmp0, $4  }
0xe6: {  	[hbm4b:s7+s2] =	stream.indirect_vreg.scatter [tilespmem:s0], [sflag:$0x1], $0x80, v3, vm0, $0xb8;
	[tilespmem:$0x8080] =	vst v63  }
0xe7: {  	_ =	swait.ge [sflag:s15], $0x8000  }
0xe8: {  	[sflag:s15] =	ssyncset.done $0x0  }
0xe9: {  	s14 =	sadd.s32 $0xFFFFFFFF, s14;
	[sflag:s15] =	ssyncadd.s32 $0xFFFF8000  }
0xea: {  	_ =	sfence.sel $0x180000  }
0xeb: {  	[bflag:$0x0] =	sbarrier.arrive $0xFFFF  }
0xec: {  	_ =	strace $0x90000047  }
0xed: {  	s0 =	stileid.u32;
	[bflag:$0x2] =	sbarrier.arrive $0xFFFF  }
0xee: {  	p0 =	sne.s32 s0, $0x0;
	s0 =	rddreg [dreg:$0x2]  }
0xef: {  	s0 =	sadd.s32 @!p0 $0x100000, s0  }
0xf0: {  	[sflag:s0] =	ssyncadd.tile.s32 @!p0 $0x1;
	_ =	shalt  }
.Lfunc_end2:
_tile_overlayer_lowered:
.L_overlay_start_2:
0xf1: {  	(tag) =	ssettag $0x2  }
0xf2: {  	s0 =	rddreg [dreg:$0x0];
	s2 =	stileid.u32  }
0xf3: {  	s1 =	rddreg [dreg:$0x1];
	p0 =	sne.s32 s2, $0x0  }
0xf4: {  	s3 =	rddreg [dreg:$0x2];
	[bflag:$0x3] =	sbarrier.arrive $0xFFFF;
	s2 =	simm.s32 @!p0 $0x1C01  }
0xf5: {  	[timem:s3], [sflag:s2] =	dma.local @!p0 [hbm:s0], s1  }
0xf6: {  	s0 =	simm.s32 @!p0 $0x1  }
0xf7: {  	_ =	swait.ge @!p0 [sflag:s0], s1  }
0xf8: {  	s1 =	ssub.s32 @!p0 $0x0, s1;
	[sflag:s0] =	ssyncset.done @!p0 $0x0  }
0xf9: {  	[sflag:s0] =	ssyncadd.s32 @!p0 s1  }
0xfa: {  	[bflag:$0x3] =	sbarrier.arrive $0xFFFF  }
0xfb: {  	_ =	shalt  }

</sc_bundles>
